<compile_context>
chip_gen: v7x
topology: tpu7x:2x2x1
jax: 0.10.2.dev20260603
libtpu: 0.0.44.dev20260713+nightly
codegen_flags: <defaults>
</compile_context>

<pallas_src>
import functools

import jax
import jax.numpy as jnp
from jax import lax
from jax.experimental import pallas as pl
from jax.experimental.pallas import tpu as pltpu
from jax.experimental.pallas import tpu_sc as plsc

NUM_CODES = 8192
DIM = 64
BETA = 0.25
ROWS = 16 * 576

ROW_BLK = 256
N_ROW_BLKS = ROWS // ROW_BLK
CODE_CHUNK = 2048
N_CODE_CHUNKS = NUM_CODES // CODE_CHUNK

NC, NS = 2, 16
NW = NC * NS
RPW = ROWS // NW
HCHUNK = 96


def _argmin_body(z_ref, et_ref, idx_ref, nebt_ref, esq_ref):
    @pl.when(pl.program_id(0) == 0)
    def _pre():
        et = et_ref[...]
        nebt_ref[...] = et * -2.0
        esq_ref[...] = jnp.sum(et * et, axis=0, keepdims=True)

    zb = z_ref[...]
    lane = lax.broadcasted_iota(jnp.int32, (ROW_BLK, 128), 1)
    acc_v = jnp.full((ROW_BLK, 128), jnp.inf, jnp.float32)
    acc_t = jnp.zeros((ROW_BLK, 128), jnp.int32)
    for c in range(N_CODE_CHUNKS):
        nebt = nebt_ref[:, pl.ds(c * CODE_CHUNK, CODE_CHUNK)]
        mm2 = jnp.dot(zb, nebt, preferred_element_type=jnp.float32)
        for t in range(CODE_CHUNK // 128):
            esq_t = esq_ref[:, pl.ds(c * CODE_CHUNK + t * 128, 128)]
            dt = mm2[:, t * 128:(t + 1) * 128] + esq_t
            upd = dt < acc_v
            acc_v = jnp.where(upd, dt, acc_v)
            acc_t = jnp.where(upd, jnp.int32(c * (CODE_CHUNK // 128) + t),
                              acc_t)
    col = acc_t * 128 + lane
    mv = jnp.min(acc_v, axis=1, keepdims=True)
    li = jnp.min(jnp.where(acc_v == mv, col, jnp.int32(2**30)),
                 axis=1, keepdims=True)
    idx_ref[...] = li.reshape(ROW_BLK)


def _sc_body(idx_hbm, emb_hbm, zeros_hbm, zq_hbm, cnt_hbm,
             idx_v, rows_v, ones_v, idxc_v, tmp_v, zshared, sem):
    c = lax.axis_index("c")
    s = lax.axis_index("s")
    wid = s * NC + c
    base = wid * RPW

    pltpu.sync_copy(idx_hbm.at[pl.ds(base, RPW)], idx_v)
    cps = [
        pltpu.async_copy(
            emb_hbm.at[idx_v.at[pl.ds(j * HCHUNK, HCHUNK)]],
            rows_v.at[pl.ds(j * HCHUNK, HCHUNK)], sem)
        for j in range(RPW // HCHUNK)
    ]
    for cp in cps:
        cp.wait()
    pltpu.sync_copy(rows_v, zq_hbm.at[pl.ds(base, RPW)])

    @pl.when(s == 0)
    def _zero():
        pltpu.sync_copy(zeros_hbm, tmp_v)
        pltpu.sync_copy(tmp_v, zshared)

    plsc.subcore_barrier()
    for i in range(HCHUNK // 16):
        ones_v[pl.ds(i * 16, 16)] = jnp.full((16,), 1.0, jnp.float32)
    for j in range(RPW // HCHUNK):
        pltpu.sync_copy(idx_hbm.at[pl.ds(base + j * HCHUNK, HCHUNK)], idxc_v)
        pltpu.sync_copy(ones_v, zshared.at[idxc_v], add=True)
    plsc.subcore_barrier()

    @pl.when(s == 0)
    def _read():
        pltpu.sync_copy(zshared, tmp_v)
        pltpu.sync_copy(tmp_v, cnt_hbm.at[c])


def _fin_body(z_ref, zq_ref, cnt_ref, zqst_ref, loss_ref, perp_ref):
    z = z_ref[...]
    q = zq_ref[...]
    d = q - z
    zqst_ref[...] = z + d
    loss_ref[0, 0] = jnp.mean(d * d) * BETA
    cnt = cnt_ref[0, :] + cnt_ref[1, :]
    avg = cnt / jnp.float32(ROWS)
    ent = jnp.sum(avg * jnp.log(avg + 1e-12))
    perp_ref[0, 0] = jnp.exp(-ent)


def kernel(z, embed):
    z_flat = z.reshape(-1, DIM)
    embed_t = embed.T

    idx2 = pl.pallas_call(
        _argmin_body,
        grid=(N_ROW_BLKS,),
        in_specs=[
            pl.BlockSpec((ROW_BLK, DIM), lambda i: (i, 0)),
            pl.BlockSpec((DIM, NUM_CODES), lambda i: (0, 0)),
        ],
        out_specs=pl.BlockSpec((ROW_BLK,), lambda i: (i,)),
        out_shape=jax.ShapeDtypeStruct((ROWS,), jnp.int32),
        scratch_shapes=[
            pltpu.VMEM((DIM, NUM_CODES), jnp.float32),
            pltpu.VMEM((1, NUM_CODES), jnp.float32),
        ],
    )(z_flat, embed_t)
    idx = idx2

    zeros8k = jnp.zeros((NUM_CODES,), jnp.float32)
    mesh = plsc.VectorSubcoreMesh(
        core_axis_name="c", subcore_axis_name="s",
        num_cores=NC, num_subcores=NS)
    sc = pl.kernel(
        _sc_body,
        out_type=(
            jax.ShapeDtypeStruct((ROWS, DIM), jnp.float32),
            jax.ShapeDtypeStruct((NC, NUM_CODES), jnp.float32),
        ),
        mesh=mesh,
        scratch_types=[
            pltpu.VMEM((RPW,), jnp.int32),
            pltpu.VMEM((RPW, DIM), jnp.float32),
            pltpu.VMEM((HCHUNK,), jnp.float32),
            pltpu.VMEM((HCHUNK,), jnp.int32),
            pltpu.VMEM((NUM_CODES,), jnp.float32),
            pltpu.VMEM_SHARED((NUM_CODES,), jnp.float32),
            pltpu.SemaphoreType.DMA,
        ],
        compiler_params=pltpu.CompilerParams(use_tc_tiling_on_sc=False),
    )
    zq_flat, cnt2 = sc(idx, embed, zeros8k)

    zqst, loss11, perp11 = pl.pallas_call(
        _fin_body,
        out_specs=(
            pl.BlockSpec(memory_space=pltpu.VMEM),
            pl.BlockSpec(memory_space=pltpu.SMEM),
            pl.BlockSpec(memory_space=pltpu.SMEM),
        ),
        out_shape=(
            jax.ShapeDtypeStruct((ROWS, DIM), jnp.float32),
            jax.ShapeDtypeStruct((1, 1), jnp.float32),
            jax.ShapeDtypeStruct((1, 1), jnp.float32),
        ),
    )(z_flat, zq_flat, cnt2)

    return (zqst.reshape(z.shape), loss11.reshape(()), perp11.reshape(()),
            idx.reshape(z.shape[:-1]))

# --- scband reference (transcript-rebuilt; emitter-appended) ---
"""Pipeline reference for scband-vector-quantizer-ema-37056977830102 (READ-ONLY COPY).

The authoritative reference and input builder live on the scoring server;
editing this copy changes nothing except your own understanding.
"""

import jax, jax.numpy as jnp
import numpy as np

NUM_CODES = 8192
DIM = 64
BETA = 0.25

def setup_inputs(seed: int = 0) -> dict:
    key = jax.random.key(seed)
    k1, k2 = jax.random.split(key)
    z = jax.random.normal(k1, (16, 576, DIM), dtype=jnp.float32)
    embed = jax.random.normal(k2, (NUM_CODES, DIM), dtype=jnp.float32)
    return {"z": z, "embed": embed}

def reference(z, embed):
    orig_shape = z.shape
    z_flat = z.reshape(-1, DIM)
    dist = (jnp.sum(z_flat ** 2, axis=1, keepdims=True)
            - 2.0 * z_flat @ embed.T
            + jnp.sum(embed ** 2, axis=1)[None, :])
    idx = jnp.argmin(dist, axis=1)
    onehot = jax.nn.one_hot(idx, NUM_CODES, dtype=jnp.float32)
    z_q_flat = onehot @ embed
    z_q = z_q_flat.reshape(orig_shape)
    loss = jnp.mean((jax.lax.stop_gradient(z_q) - z) ** 2) * BETA
    z_q_st = z + jax.lax.stop_gradient(z_q - z)
    avg_probs = jnp.mean(onehot, axis=0)
    perplexity = jnp.exp(-jnp.sum(avg_probs * jnp.log(avg_probs + 1e-12)))
    idx_out = idx.reshape(orig_shape[:-1])
    return (z_q_st, loss, perplexity, idx_out)

if __name__ == "__main__":
    import jax
    _d = setup_inputs()
    print(jax.jit(kernel)(*tuple(_d.values())))

</pallas_src>

<mosaic_0001>
#map = affine_map<(d0, d1) -> (0)>
#map1 = affine_map<(d0, d1) -> (0, 0)>
module attributes {stable_mosaic.version = 14 : i64} {
  func.func @_sc_body(%arg0: i32, %arg1: i32, %arg2: memref<9216xi32, #tpu.memory_space<hbm>>, %arg3: memref<8192x64xf32, #tpu.memory_space<hbm>>, %arg4: memref<8192xf32, #tpu.memory_space<hbm>>, %arg5: memref<9216x64xf32, #tpu.memory_space<hbm>>, %arg6: memref<2x8192xf32, #tpu.memory_space<hbm>>, %arg7: memref<288xi32, #tpu.memory_space<vmem>>, %arg8: memref<288x64xf32, #tpu.memory_space<vmem>>, %arg9: memref<96xf32, #tpu.memory_space<vmem>>, %arg10: memref<96xi32, #tpu.memory_space<vmem>>, %arg11: memref<8192xf32, #tpu.memory_space<vmem>>, %arg12: memref<8192xf32, #tpu.memory_space<vmem_shared>>, %arg13: memref<!tpu.dma_semaphore, #tpu.memory_space<semaphore_mem>>) attributes {dimension_semantics = [#tpu.dimension_semantics<core_parallel>, #tpu.dimension_semantics<subcore_parallel>], iteration_bounds = array<i64: 2, 16>, scalar_prefetch = 0 : i64, scratch_operands = 7 : i64, tpu.core_type = #tpu.core_type<sc_vector_subcore>, window_params = [{transform_indices = #map}, {transform_indices = #map1}, {transform_indices = #map}, {transform_indices = #map1}, {transform_indices = #map1}]} {
    %mul3A = arith.constant 2 : i32
    %mul3A_0 = arith.muli %arg1, %mul3A : i32
    %add3A = arith.addi %mul3A_0, %arg0 : i32
    %mul3A_1 = arith.constant 288 : i32
    %mul3A_2 = arith.muli %add3A, %mul3A_1 : i32
    "tpu.region"() ({
      %run_scoped3A = tpu.sem_alloc : memref<!tpu.dma_semaphore, #tpu.memory_space<semaphore_mem>>
      %dma_start3A_97 = tpu.memref_slice %arg2[%mul3A_2] : memref<9216xi32, #tpu.memory_space<hbm>> -> memref<288xi32, #tpu.memory_space<hbm>>
      %dma_start3A_98 = tpu.memref_slice %arg2[%mul3A_2] : memref<9216xi32, #tpu.memory_space<hbm>> -> memref<288xi32, #tpu.memory_space<hbm>>
      tpu.enqueue_dma source(%dma_start3A_98 : memref<288xi32, #tpu.memory_space<hbm>>) target(%arg7 : memref<288xi32, #tpu.memory_space<vmem>>) target_semaphore(%run_scoped3A : memref<!tpu.dma_semaphore, #tpu.memory_space<semaphore_mem>>)
      %dma_wait3A_99 = tpu.memref_slice %arg2[%mul3A_2] : memref<9216xi32, #tpu.memory_space<hbm>> -> memref<288xi32, #tpu.memory_space<hbm>>
      %dma_wait3A_100 = tpu.memref_slice %arg2[%mul3A_2] : memref<9216xi32, #tpu.memory_space<hbm>> -> memref<288xi32, #tpu.memory_space<hbm>>
      tpu.wait_dma2 semaphore(%run_scoped3A : memref<!tpu.dma_semaphore, #tpu.memory_space<semaphore_mem>>) src(%dma_wait3A_100 : memref<288xi32, #tpu.memory_space<hbm>>) dst(%arg7 : memref<288xi32, #tpu.memory_space<vmem>>)
      tpu.yield
    }) : () -> ()
    %dma_start3A = arith.constant 0 : i32
    %dma_start3A_3 = arith.constant 0 : i32
    %dma_start3A_4 = tpu.memref_slice %arg8[%dma_start3A, %dma_start3A_3] : memref<288x64xf32, #tpu.memory_space<vmem>> -> memref<96x64xf32, #tpu.memory_space<vmem>>
    %dma_start3A_5 = arith.constant 0 : i32
    %dma_start3A_6 = tpu.memref_slice %arg7[%dma_start3A_5] : memref<288xi32, #tpu.memory_space<vmem>> -> memref<96xi32, #tpu.memory_space<vmem>>
    %dma_start3A_7 = arith.constant 0 : i32
    %dma_start3A_8 = arith.constant 0 : i32
    %dma_start3A_9 = tpu.memref_slice %arg3[%dma_start3A_7, %dma_start3A_8] : memref<8192x64xf32, #tpu.memory_space<hbm>> -> memref<8192x64xf32, #tpu.memory_space<hbm>>
    tpu.enqueue_indirect_dma source(%dma_start3A_9 : memref<8192x64xf32, #tpu.memory_space<hbm>>) target(%dma_start3A_4 : memref<96x64xf32, #tpu.memory_space<vmem>>) offsets(%dma_start3A_6 : memref<96xi32, #tpu.memory_space<vmem>>) semaphore(%arg13 : memref<!tpu.dma_semaphore, #tpu.memory_space<semaphore_mem>>)
    %dma_start3A_10 = arith.constant 96 : i32
    %dma_start3A_11 = arith.constant 0 : i32
    %dma_start3A_12 = tpu.memref_slice %arg8[%dma_start3A_10, %dma_start3A_11] : memref<288x64xf32, #tpu.memory_space<vmem>> -> memref<96x64xf32, #tpu.memory_space<vmem>>
    %dma_start3A_13 = arith.constant 96 : i32
    %dma_start3A_14 = tpu.memref_slice %arg7[%dma_start3A_13] : memref<288xi32, #tpu.memory_space<vmem>> -> memref<96xi32, #tpu.memory_space<vmem>>
    %dma_start3A_15 = arith.constant 0 : i32
    %dma_start3A_16 = arith.constant 0 : i32
    %dma_start3A_17 = tpu.memref_slice %arg3[%dma_start3A_15, %dma_start3A_16] : memref<8192x64xf32, #tpu.memory_space<hbm>> -> memref<8192x64xf32, #tpu.memory_space<hbm>>
    tpu.enqueue_indirect_dma source(%dma_start3A_17 : memref<8192x64xf32, #tpu.memory_space<hbm>>) target(%dma_start3A_12 : memref<96x64xf32, #tpu.memory_space<vmem>>) offsets(%dma_start3A_14 : memref<96xi32, #tpu.memory_space<vmem>>) semaphore(%arg13 : memref<!tpu.dma_semaphore, #tpu.memory_space<semaphore_mem>>)
    %dma_start3A_18 = arith.constant 192 : i32
    %dma_start3A_19 = arith.constant 0 : i32
    %dma_start3A_20 = tpu.memref_slice %arg8[%dma_start3A_18, %dma_start3A_19] : memref<288x64xf32, #tpu.memory_space<vmem>> -> memref<96x64xf32, #tpu.memory_space<vmem>>
    %dma_start3A_21 = arith.constant 192 : i32
    %dma_start3A_22 = tpu.memref_slice %arg7[%dma_start3A_21] : memref<288xi32, #tpu.memory_space<vmem>> -> memref<96xi32, #tpu.memory_space<vmem>>
    %dma_start3A_23 = arith.constant 0 : i32
    %dma_start3A_24 = arith.constant 0 : i32
    %dma_start3A_25 = tpu.memref_slice %arg3[%dma_start3A_23, %dma_start3A_24] : memref<8192x64xf32, #tpu.memory_space<hbm>> -> memref<8192x64xf32, #tpu.memory_space<hbm>>
    tpu.enqueue_indirect_dma source(%dma_start3A_25 : memref<8192x64xf32, #tpu.memory_space<hbm>>) target(%dma_start3A_20 : memref<96x64xf32, #tpu.memory_space<vmem>>) offsets(%dma_start3A_22 : memref<96xi32, #tpu.memory_space<vmem>>) semaphore(%arg13 : memref<!tpu.dma_semaphore, #tpu.memory_space<semaphore_mem>>)
    %dma_wait3A = arith.constant 0 : i32
    %dma_wait3A_26 = arith.constant 0 : i32
    %dma_wait3A_27 = tpu.memref_slice %arg8[%dma_wait3A, %dma_wait3A_26] : memref<288x64xf32, #tpu.memory_space<vmem>> -> memref<96x64xf32, #tpu.memory_space<vmem>>
    %dma_wait3A_28 = arith.constant 0 : i32
    %dma_wait3A_29 = tpu.memref_slice %arg7[%dma_wait3A_28] : memref<288xi32, #tpu.memory_space<vmem>> -> memref<96xi32, #tpu.memory_space<vmem>>
    %dma_wait3A_30 = arith.constant 0 : i32
    %dma_wait3A_31 = arith.constant 0 : i32
    %dma_wait3A_32 = tpu.memref_slice %arg3[%dma_wait3A_30, %dma_wait3A_31] : memref<8192x64xf32, #tpu.memory_space<hbm>> -> memref<8192x64xf32, #tpu.memory_space<hbm>>
    tpu.wait_indirect_dma semaphore(%arg13 : memref<!tpu.dma_semaphore, #tpu.memory_space<semaphore_mem>>) src(%dma_wait3A_32 : memref<8192x64xf32, #tpu.memory_space<hbm>>) dst(%dma_wait3A_27 : memref<96x64xf32, #tpu.memory_space<vmem>>)
    %dma_wait3A_33 = arith.constant 96 : i32
    %dma_wait3A_34 = arith.constant 0 : i32
    %dma_wait3A_35 = tpu.memref_slice %arg8[%dma_wait3A_33, %dma_wait3A_34] : memref<288x64xf32, #tpu.memory_space<vmem>> -> memref<96x64xf32, #tpu.memory_space<vmem>>
    %dma_wait3A_36 = arith.constant 96 : i32
    %dma_wait3A_37 = tpu.memref_slice %arg7[%dma_wait3A_36] : memref<288xi32, #tpu.memory_space<vmem>> -> memref<96xi32, #tpu.memory_space<vmem>>
    %dma_wait3A_38 = arith.constant 0 : i32
    %dma_wait3A_39 = arith.constant 0 : i32
    %dma_wait3A_40 = tpu.memref_slice %arg3[%dma_wait3A_38, %dma_wait3A_39] : memref<8192x64xf32, #tpu.memory_space<hbm>> -> memref<8192x64xf32, #tpu.memory_space<hbm>>
    tpu.wait_indirect_dma semaphore(%arg13 : memref<!tpu.dma_semaphore, #tpu.memory_space<semaphore_mem>>) src(%dma_wait3A_40 : memref<8192x64xf32, #tpu.memory_space<hbm>>) dst(%dma_wait3A_35 : memref<96x64xf32, #tpu.memory_space<vmem>>)
    %dma_wait3A_41 = arith.constant 192 : i32
    %dma_wait3A_42 = arith.constant 0 : i32
    %dma_wait3A_43 = tpu.memref_slice %arg8[%dma_wait3A_41, %dma_wait3A_42] : memref<288x64xf32, #tpu.memory_space<vmem>> -> memref<96x64xf32, #tpu.memory_space<vmem>>
    %dma_wait3A_44 = arith.constant 192 : i32
    %dma_wait3A_45 = tpu.memref_slice %arg7[%dma_wait3A_44] : memref<288xi32, #tpu.memory_space<vmem>> -> memref<96xi32, #tpu.memory_space<vmem>>
    %dma_wait3A_46 = arith.constant 0 : i32
    %dma_wait3A_47 = arith.constant 0 : i32
    %dma_wait3A_48 = tpu.memref_slice %arg3[%dma_wait3A_46, %dma_wait3A_47] : memref<8192x64xf32, #tpu.memory_space<hbm>> -> memref<8192x64xf32, #tpu.memory_space<hbm>>
    tpu.wait_indirect_dma semaphore(%arg13 : memref<!tpu.dma_semaphore, #tpu.memory_space<semaphore_mem>>) src(%dma_wait3A_48 : memref<8192x64xf32, #tpu.memory_space<hbm>>) dst(%dma_wait3A_43 : memref<96x64xf32, #tpu.memory_space<vmem>>)
    "tpu.region"() ({
      %run_scoped3A = tpu.sem_alloc : memref<!tpu.dma_semaphore, #tpu.memory_space<semaphore_mem>>
      %dma_start3A_97 = arith.constant 0 : i32
      %dma_start3A_98 = tpu.memref_slice %arg5[%mul3A_2, %dma_start3A_97] : memref<9216x64xf32, #tpu.memory_space<hbm>> -> memref<288x64xf32, #tpu.memory_space<hbm>>
      %dma_start3A_99 = arith.constant 0 : i32
      %dma_start3A_100 = tpu.memref_slice %arg5[%mul3A_2, %dma_start3A_99] : memref<9216x64xf32, #tpu.memory_space<hbm>> -> memref<288x64xf32, #tpu.memory_space<hbm>>
      tpu.enqueue_dma source(%arg8 : memref<288x64xf32, #tpu.memory_space<vmem>>) target(%dma_start3A_100 : memref<288x64xf32, #tpu.memory_space<hbm>>) target_semaphore(%run_scoped3A : memref<!tpu.dma_semaphore, #tpu.memory_space<semaphore_mem>>)
      %dma_wait3A_101 = arith.constant 0 : i32
      %dma_wait3A_102 = tpu.memref_slice %arg5[%mul3A_2, %dma_wait3A_101] : memref<9216x64xf32, #tpu.memory_space<hbm>> -> memref<288x64xf32, #tpu.memory_space<hbm>>
      %dma_wait3A_103 = arith.constant 0 : i32
      %dma_wait3A_104 = tpu.memref_slice %arg5[%mul3A_2, %dma_wait3A_103] : memref<9216x64xf32, #tpu.memory_space<hbm>> -> memref<288x64xf32, #tpu.memory_space<hbm>>
      tpu.wait_dma2 semaphore(%run_scoped3A : memref<!tpu.dma_semaphore, #tpu.memory_space<semaphore_mem>>) src(%arg8 : memref<288x64xf32, #tpu.memory_space<vmem>>) dst(%dma_wait3A_104 : memref<288x64xf32, #tpu.memory_space<hbm>>)
      tpu.yield
    }) : () -> ()
    %eq3A = arith.constant 0 : i32
    %eq3A_49 = arith.cmpi eq, %arg1, %eq3A : i32
    %convert_element_type3A = arith.extui %eq3A_49 : i1 to i32
    %cond3A = arith.constant 0 : i32
    %cond3A_50 = arith.cmpi ne, %convert_element_type3A, %cond3A : i32
    scf.if %cond3A_50 {
      "tpu.region"() ({
        %run_scoped3A = tpu.sem_alloc : memref<!tpu.dma_semaphore, #tpu.memory_space<semaphore_mem>>
        tpu.enqueue_dma source(%arg4 : memref<8192xf32, #tpu.memory_space<hbm>>) target(%arg11 : memref<8192xf32, #tpu.memory_space<vmem>>) target_semaphore(%run_scoped3A : memref<!tpu.dma_semaphore, #tpu.memory_space<semaphore_mem>>)
        tpu.wait_dma2 semaphore(%run_scoped3A : memref<!tpu.dma_semaphore, #tpu.memory_space<semaphore_mem>>) src(%arg4 : memref<8192xf32, #tpu.memory_space<hbm>>) dst(%arg11 : memref<8192xf32, #tpu.memory_space<vmem>>)
        tpu.yield
      }) : () -> ()
      "tpu.region"() ({
        %run_scoped3A = tpu.sem_alloc : memref<!tpu.dma_semaphore, #tpu.memory_space<semaphore_mem>>
        tpu.enqueue_dma source(%arg11 : memref<8192xf32, #tpu.memory_space<vmem>>) target(%arg12 : memref<8192xf32, #tpu.memory_space<vmem_shared>>) target_semaphore(%run_scoped3A : memref<!tpu.dma_semaphore, #tpu.memory_space<semaphore_mem>>)
        tpu.wait_dma2 semaphore(%run_scoped3A : memref<!tpu.dma_semaphore, #tpu.memory_space<semaphore_mem>>) src(%arg11 : memref<8192xf32, #tpu.memory_space<vmem>>) dst(%arg12 : memref<8192xf32, #tpu.memory_space<vmem_shared>>)
        tpu.yield
      }) : () -> ()
    } else {
    }
    %barrier3A = arith.constant 0 : index
    tpu.barrier barrier_id(%barrier3A)
    %broadcast_in_dim3A = arith.constant 1.000000e+00 : f32
    %broadcast_in_dim3A_51 = vector.broadcast %broadcast_in_dim3A : f32 to vector<16xf32>
    %swap3A = arith.constant 0 : index
    %swap3A_52 = tpu.vector_load %arg9[%swap3A] {strides = array<i32>} : memref<96xf32, #tpu.memory_space<vmem>>, vector<16xf32>,
    %swap3A_53 = vector.shape_cast %swap3A_52 : vector<16xf32> to vector<16xf32>
    %swap3A_54 = vector.shape_cast %broadcast_in_dim3A_51 : vector<16xf32> to vector<16xf32>
    tpu.vector_store %arg9[%swap3A], %swap3A_54 {strides = array<i32>} : memref<96xf32, #tpu.memory_space<vmem>>, vector<16xf32>,
    %broadcast_in_dim3A_55 = arith.constant 1.000000e+00 : f32
    %broadcast_in_dim3A_56 = vector.broadcast %broadcast_in_dim3A_55 : f32 to vector<16xf32>
    %swap3A_57 = arith.constant 16 : index
    %swap3A_58 = tpu.vector_load %arg9[%swap3A_57] {strides = array<i32>} : memref<96xf32, #tpu.memory_space<vmem>>, vector<16xf32>,
    %swap3A_59 = vector.shape_cast %swap3A_58 : vector<16xf32> to vector<16xf32>
    %swap3A_60 = vector.shape_cast %broadcast_in_dim3A_56 : vector<16xf32> to vector<16xf32>
    tpu.vector_store %arg9[%swap3A_57], %swap3A_60 {strides = array<i32>} : memref<96xf32, #tpu.memory_space<vmem>>, vector<16xf32>,
    %broadcast_in_dim3A_61 = arith.constant 1.000000e+00 : f32
    %broadcast_in_dim3A_62 = vector.broadcast %broadcast_in_dim3A_61 : f32 to vector<16xf32>
    %swap3A_63 = arith.constant 32 : index
    %swap3A_64 = tpu.vector_load %arg9[%swap3A_63] {strides = array<i32>} : memref<96xf32, #tpu.memory_space<vmem>>, vector<16xf32>,
    %swap3A_65 = vector.shape_cast %swap3A_64 : vector<16xf32> to vector<16xf32>
    %swap3A_66 = vector.shape_cast %broadcast_in_dim3A_62 : vector<16xf32> to vector<16xf32>
    tpu.vector_store %arg9[%swap3A_63], %swap3A_66 {strides = array<i32>} : memref<96xf32, #tpu.memory_space<vmem>>, vector<16xf32>,
    %broadcast_in_dim3A_67 = arith.constant 1.000000e+00 : f32
    %broadcast_in_dim3A_68 = vector.broadcast %broadcast_in_dim3A_67 : f32 to vector<16xf32>
    %swap3A_69 = arith.constant 48 : index
    %swap3A_70 = tpu.vector_load %arg9[%swap3A_69] {strides = array<i32>} : memref<96xf32, #tpu.memory_space<vmem>>, vector<16xf32>,
    %swap3A_71 = vector.shape_cast %swap3A_70 : vector<16xf32> to vector<16xf32>
    %swap3A_72 = vector.shape_cast %broadcast_in_dim3A_68 : vector<16xf32> to vector<16xf32>
    tpu.vector_store %arg9[%swap3A_69], %swap3A_72 {strides = array<i32>} : memref<96xf32, #tpu.memory_space<vmem>>, vector<16xf32>,
    %broadcast_in_dim3A_73 = arith.constant 1.000000e+00 : f32
    %broadcast_in_dim3A_74 = vector.broadcast %broadcast_in_dim3A_73 : f32 to vector<16xf32>
    %swap3A_75 = arith.constant 64 : index
    %swap3A_76 = tpu.vector_load %arg9[%swap3A_75] {strides = array<i32>} : memref<96xf32, #tpu.memory_space<vmem>>, vector<16xf32>,
    %swap3A_77 = vector.shape_cast %swap3A_76 : vector<16xf32> to vector<16xf32>
    %swap3A_78 = vector.shape_cast %broadcast_in_dim3A_74 : vector<16xf32> to vector<16xf32>
    tpu.vector_store %arg9[%swap3A_75], %swap3A_78 {strides = array<i32>} : memref<96xf32, #tpu.memory_space<vmem>>, vector<16xf32>,
    %broadcast_in_dim3A_79 = arith.constant 1.000000e+00 : f32
    %broadcast_in_dim3A_80 = vector.broadcast %broadcast_in_dim3A_79 : f32 to vector<16xf32>
    %swap3A_81 = arith.constant 80 : index
    %swap3A_82 = tpu.vector_load %arg9[%swap3A_81] {strides = array<i32>} : memref<96xf32, #tpu.memory_space<vmem>>, vector<16xf32>,
    %swap3A_83 = vector.shape_cast %swap3A_82 : vector<16xf32> to vector<16xf32>
    %swap3A_84 = vector.shape_cast %broadcast_in_dim3A_80 : vector<16xf32> to vector<16xf32>
    tpu.vector_store %arg9[%swap3A_81], %swap3A_84 {strides = array<i32>} : memref<96xf32, #tpu.memory_space<vmem>>, vector<16xf32>,
    %add3A_85 = arith.constant 0 : i32
    %add3A_86 = arith.addi %mul3A_2, %add3A_85 : i32
    "tpu.region"() ({
      %run_scoped3A = tpu.sem_alloc : memref<!tpu.dma_semaphore, #tpu.memory_space<semaphore_mem>>
      %dma_start3A_97 = tpu.memref_slice %arg2[%add3A_86] : memref<9216xi32, #tpu.memory_space<hbm>> -> memref<96xi32, #tpu.memory_space<hbm>>
      %dma_start3A_98 = tpu.memref_slice %arg2[%add3A_86] : memref<9216xi32, #tpu.memory_space<hbm>> -> memref<96xi32, #tpu.memory_space<hbm>>
      tpu.enqueue_dma source(%dma_start3A_98 : memref<96xi32, #tpu.memory_space<hbm>>) target(%arg10 : memref<96xi32, #tpu.memory_space<vmem>>) target_semaphore(%run_scoped3A : memref<!tpu.dma_semaphore, #tpu.memory_space<semaphore_mem>>)
      %dma_wait3A_99 = tpu.memref_slice %arg2[%add3A_86] : memref<9216xi32, #tpu.memory_space<hbm>> -> memref<96xi32, #tpu.memory_space<hbm>>
      %dma_wait3A_100 = tpu.memref_slice %arg2[%add3A_86] : memref<9216xi32, #tpu.memory_space<hbm>> -> memref<96xi32, #tpu.memory_space<hbm>>
      tpu.wait_dma2 semaphore(%run_scoped3A : memref<!tpu.dma_semaphore, #tpu.memory_space<semaphore_mem>>) src(%dma_wait3A_100 : memref<96xi32, #tpu.memory_space<hbm>>) dst(%arg10 : memref<96xi32, #tpu.memory_space<vmem>>)
      tpu.yield
    }) : () -> ()
    "tpu.region"() ({
      %run_scoped3A = tpu.sem_alloc : memref<!tpu.dma_semaphore, #tpu.memory_space<semaphore_mem>>
      %dma_start3A_97 = arith.constant 0 : i32
      %dma_start3A_98 = tpu.memref_slice %arg12[%dma_start3A_97] : memref<8192xf32, #tpu.memory_space<vmem_shared>> -> memref<8192xf32, #tpu.memory_space<vmem_shared>>
      tpu.enqueue_indirect_dma source(%arg9 : memref<96xf32, #tpu.memory_space<vmem>>) target(%dma_start3A_98 : memref<8192xf32, #tpu.memory_space<vmem_shared>>) offsets(%arg10 : memref<96xi32, #tpu.memory_space<vmem>>) semaphore(%run_scoped3A : memref<!tpu.dma_semaphore, #tpu.memory_space<semaphore_mem>>) {add = true}
      %dma_wait3A_99 = arith.constant 0 : i32
      %dma_wait3A_100 = tpu.memref_slice %arg12[%dma_wait3A_99] : memref<8192xf32, #tpu.memory_space<vmem_shared>> -> memref<8192xf32, #tpu.memory_space<vmem_shared>>
      tpu.wait_indirect_dma semaphore(%run_scoped3A : memref<!tpu.dma_semaphore, #tpu.memory_space<semaphore_mem>>) src(%arg9 : memref<96xf32, #tpu.memory_space<vmem>>) dst(%dma_wait3A_100 : memref<8192xf32, #tpu.memory_space<vmem_shared>>)
      tpu.yield
    }) : () -> ()
    %add3A_87 = arith.constant 96 : i32
    %add3A_88 = arith.addi %mul3A_2, %add3A_87 : i32
    "tpu.region"() ({
      %run_scoped3A = tpu.sem_alloc : memref<!tpu.dma_semaphore, #tpu.memory_space<semaphore_mem>>
      %dma_start3A_97 = tpu.memref_slice %arg2[%add3A_88] : memref<9216xi32, #tpu.memory_space<hbm>> -> memref<96xi32, #tpu.memory_space<hbm>>
      %dma_start3A_98 = tpu.memref_slice %arg2[%add3A_88] : memref<9216xi32, #tpu.memory_space<hbm>> -> memref<96xi32, #tpu.memory_space<hbm>>
      tpu.enqueue_dma source(%dma_start3A_98 : memref<96xi32, #tpu.memory_space<hbm>>) target(%arg10 : memref<96xi32, #tpu.memory_space<vmem>>) target_semaphore(%run_scoped3A : memref<!tpu.dma_semaphore, #tpu.memory_space<semaphore_mem>>)
      %dma_wait3A_99 = tpu.memref_slice %arg2[%add3A_88] : memref<9216xi32, #tpu.memory_space<hbm>> -> memref<96xi32, #tpu.memory_space<hbm>>
      %dma_wait3A_100 = tpu.memref_slice %arg2[%add3A_88] : memref<9216xi32, #tpu.memory_space<hbm>> -> memref<96xi32, #tpu.memory_space<hbm>>
      tpu.wait_dma2 semaphore(%run_scoped3A : memref<!tpu.dma_semaphore, #tpu.memory_space<semaphore_mem>>) src(%dma_wait3A_100 : memref<96xi32, #tpu.memory_space<hbm>>) dst(%arg10 : memref<96xi32, #tpu.memory_space<vmem>>)
      tpu.yield
    }) : () -> ()
    "tpu.region"() ({
      %run_scoped3A = tpu.sem_alloc : memref<!tpu.dma_semaphore, #tpu.memory_space<semaphore_mem>>
      %dma_start3A_97 = arith.constant 0 : i32
      %dma_start3A_98 = tpu.memref_slice %arg12[%dma_start3A_97] : memref<8192xf32, #tpu.memory_space<vmem_shared>> -> memref<8192xf32, #tpu.memory_space<vmem_shared>>
      tpu.enqueue_indirect_dma source(%arg9 : memref<96xf32, #tpu.memory_space<vmem>>) target(%dma_start3A_98 : memref<8192xf32, #tpu.memory_space<vmem_shared>>) offsets(%arg10 : memref<96xi32, #tpu.memory_space<vmem>>) semaphore(%run_scoped3A : memref<!tpu.dma_semaphore, #tpu.memory_space<semaphore_mem>>) {add = true}
      %dma_wait3A_99 = arith.constant 0 : i32
      %dma_wait3A_100 = tpu.memref_slice %arg12[%dma_wait3A_99] : memref<8192xf32, #tpu.memory_space<vmem_shared>> -> memref<8192xf32, #tpu.memory_space<vmem_shared>>
      tpu.wait_indirect_dma semaphore(%run_scoped3A : memref<!tpu.dma_semaphore, #tpu.memory_space<semaphore_mem>>) src(%arg9 : memref<96xf32, #tpu.memory_space<vmem>>) dst(%dma_wait3A_100 : memref<8192xf32, #tpu.memory_space<vmem_shared>>)
      tpu.yield
    }) : () -> ()
    %add3A_89 = arith.constant 192 : i32
    %add3A_90 = arith.addi %mul3A_2, %add3A_89 : i32
    "tpu.region"() ({
      %run_scoped3A = tpu.sem_alloc : memref<!tpu.dma_semaphore, #tpu.memory_space<semaphore_mem>>
      %dma_start3A_97 = tpu.memref_slice %arg2[%add3A_90] : memref<9216xi32, #tpu.memory_space<hbm>> -> memref<96xi32, #tpu.memory_space<hbm>>
      %dma_start3A_98 = tpu.memref_slice %arg2[%add3A_90] : memref<9216xi32, #tpu.memory_space<hbm>> -> memref<96xi32, #tpu.memory_space<hbm>>
      tpu.enqueue_dma source(%dma_start3A_98 : memref<96xi32, #tpu.memory_space<hbm>>) target(%arg10 : memref<96xi32, #tpu.memory_space<vmem>>) target_semaphore(%run_scoped3A : memref<!tpu.dma_semaphore, #tpu.memory_space<semaphore_mem>>)
      %dma_wait3A_99 = tpu.memref_slice %arg2[%add3A_90] : memref<9216xi32, #tpu.memory_space<hbm>> -> memref<96xi32, #tpu.memory_space<hbm>>
      %dma_wait3A_100 = tpu.memref_slice %arg2[%add3A_90] : memref<9216xi32, #tpu.memory_space<hbm>> -> memref<96xi32, #tpu.memory_space<hbm>>
      tpu.wait_dma2 semaphore(%run_scoped3A : memref<!tpu.dma_semaphore, #tpu.memory_space<semaphore_mem>>) src(%dma_wait3A_100 : memref<96xi32, #tpu.memory_space<hbm>>) dst(%arg10 : memref<96xi32, #tpu.memory_space<vmem>>)
      tpu.yield
    }) : () -> ()
    "tpu.region"() ({
      %run_scoped3A = tpu.sem_alloc : memref<!tpu.dma_semaphore, #tpu.memory_space<semaphore_mem>>
      %dma_start3A_97 = arith.constant 0 : i32
      %dma_start3A_98 = tpu.memref_slice %arg12[%dma_start3A_97] : memref<8192xf32, #tpu.memory_space<vmem_shared>> -> memref<8192xf32, #tpu.memory_space<vmem_shared>>
      tpu.enqueue_indirect_dma source(%arg9 : memref<96xf32, #tpu.memory_space<vmem>>) target(%dma_start3A_98 : memref<8192xf32, #tpu.memory_space<vmem_shared>>) offsets(%arg10 : memref<96xi32, #tpu.memory_space<vmem>>) semaphore(%run_scoped3A : memref<!tpu.dma_semaphore, #tpu.memory_space<semaphore_mem>>) {add = true}
      %dma_wait3A_99 = arith.constant 0 : i32
      %dma_wait3A_100 = tpu.memref_slice %arg12[%dma_wait3A_99] : memref<8192xf32, #tpu.memory_space<vmem_shared>> -> memref<8192xf32, #tpu.memory_space<vmem_shared>>
      tpu.wait_indirect_dma semaphore(%run_scoped3A : memref<!tpu.dma_semaphore, #tpu.memory_space<semaphore_mem>>) src(%arg9 : memref<96xf32, #tpu.memory_space<vmem>>) dst(%dma_wait3A_100 : memref<8192xf32, #tpu.memory_space<vmem_shared>>)
      tpu.yield
    }) : () -> ()
    %barrier3A_91 = arith.constant 0 : index
    tpu.barrier barrier_id(%barrier3A_91)
    %eq3A_92 = arith.constant 0 : i32
    %eq3A_93 = arith.cmpi eq, %arg1, %eq3A_92 : i32
    %convert_element_type3A_94 = arith.extui %eq3A_93 : i1 to i32
    %cond3A_95 = arith.constant 0 : i32
    %cond3A_96 = arith.cmpi ne, %convert_element_type3A_94, %cond3A_95 : i32
    scf.if %cond3A_96 {
      "tpu.region"() ({
        %run_scoped3A = tpu.sem_alloc : memref<!tpu.dma_semaphore, #tpu.memory_space<semaphore_mem>>
        tpu.enqueue_dma source(%arg12 : memref<8192xf32, #tpu.memory_space<vmem_shared>>) target(%arg11 : memref<8192xf32, #tpu.memory_space<vmem>>) target_semaphore(%run_scoped3A : memref<!tpu.dma_semaphore, #tpu.memory_space<semaphore_mem>>)
        tpu.wait_dma2 semaphore(%run_scoped3A : memref<!tpu.dma_semaphore, #tpu.memory_space<semaphore_mem>>) src(%arg12 : memref<8192xf32, #tpu.memory_space<vmem_shared>>) dst(%arg11 : memref<8192xf32, #tpu.memory_space<vmem>>)
        tpu.yield
      }) : () -> ()
      "tpu.region"() ({
        %run_scoped3A = tpu.sem_alloc : memref<!tpu.dma_semaphore, #tpu.memory_space<semaphore_mem>>
        %dma_start3A_97 = arith.constant 0 : i32
        %dma_start3A_98 = tpu.memref_slice %arg6[%arg0, %dma_start3A_97] : memref<2x8192xf32, #tpu.memory_space<hbm>> -> memref<1x8192xf32, #tpu.memory_space<hbm>>
        %dma_start3A_99 = tpu.memref_squeeze %dma_start3A_98 : memref<1x8192xf32, #tpu.memory_space<hbm>> -> memref<8192xf32, #tpu.memory_space<hbm>>
        %dma_start3A_100 = arith.constant 0 : i32
        %dma_start3A_101 = tpu.memref_slice %arg6[%arg0, %dma_start3A_100] : memref<2x8192xf32, #tpu.memory_space<hbm>> -> memref<1x8192xf32, #tpu.memory_space<hbm>>
        %dma_start3A_102 = tpu.memref_squeeze %dma_start3A_101 : memref<1x8192xf32, #tpu.memory_space<hbm>> -> memref<8192xf32, #tpu.memory_space<hbm>>
        tpu.enqueue_dma source(%arg11 : memref<8192xf32, #tpu.memory_space<vmem>>) target(%dma_start3A_102 : memref<8192xf32, #tpu.memory_space<hbm>>) target_semaphore(%run_scoped3A : memref<!tpu.dma_semaphore, #tpu.memory_space<semaphore_mem>>)
        %dma_wait3A_103 = arith.constant 0 : i32
        %dma_wait3A_104 = tpu.memref_slice %arg6[%arg0, %dma_wait3A_103] : memref<2x8192xf32, #tpu.memory_space<hbm>> -> memref<1x8192xf32, #tpu.memory_space<hbm>>
        %dma_wait3A_105 = tpu.memref_squeeze %dma_wait3A_104 : memref<1x8192xf32, #tpu.memory_space<hbm>> -> memref<8192xf32, #tpu.memory_space<hbm>>
        %dma_wait3A_106 = arith.constant 0 : i32
        %dma_wait3A_107 = tpu.memref_slice %arg6[%arg0, %dma_wait3A_106] : memref<2x8192xf32, #tpu.memory_space<hbm>> -> memref<1x8192xf32, #tpu.memory_space<hbm>>
        %dma_wait3A_108 = tpu.memref_squeeze %dma_wait3A_107 : memref<1x8192xf32, #tpu.memory_space<hbm>> -> memref<8192xf32, #tpu.memory_space<hbm>>
        tpu.wait_dma2 semaphore(%run_scoped3A : memref<!tpu.dma_semaphore, #tpu.memory_space<semaphore_mem>>) src(%arg11 : memref<8192xf32, #tpu.memory_space<vmem>>) dst(%dma_wait3A_108 : memref<8192xf32, #tpu.memory_space<hbm>>)
        tpu.yield
      }) : () -> ()
    } else {
    }
    return
  }
}

module attributes {stable_mosaic.version = 14 : i64} {
  func.func @_argmin_body(%arg0: i32, %arg1: memref<256x64xf32, #tpu.memory_space<vmem>>, %arg2: memref<64x8192xf32, #tpu.memory_space<vmem>>, %arg3: memref<256xi32, #tpu.memory_space<vmem>>, %arg4: memref<64x8192xf32, #tpu.memory_space<vmem>>, %arg5: memref<1x8192xf32, #tpu.memory_space<vmem>>) attributes {dimension_semantics = [#tpu.dimension_semantics<arbitrary>], iteration_bounds = array<i64: 36>, scalar_prefetch = 0 : i64, scratch_operands = 2 : i64, tpu.core_type = #tpu.core_type<tc>, window_params = [{transform_indices = @transform_0, window_bounds = array<i64: 256, 64>}, {pipeline_mode = #tpu.pipeline_mode<synchronous>, transform_indices = @transform_1, window_bounds = array<i64: 64, 8192>}, {transform_indices = @transform_2, window_bounds = array<i64: 256>}]} {
    %eq3A = arith.constant 0 : i32
    %eq3A_0 = arith.cmpi eq, %arg0, %eq3A : i32
    %convert_element_type3A = arith.extui %eq3A_0 : i1 to i32
    %cond3A = arith.constant 0 : i32
    %cond3A_1 = arith.cmpi ne, %convert_element_type3A, %cond3A : i32
    scf.if %cond3A_1 {
      %get3A_739 = arith.constant 0 : index
      %get3A_740 = arith.constant 0 : index
      %get3A_741 = vector.load %arg2[%get3A_739, %get3A_740] : memref<64x8192xf32, #tpu.memory_space<vmem>>, vector<64x8192xf32>
      %mul3A_742 = arith.constant -2.000000e+00 : f32
      %mul3A_743 = vector.broadcast %mul3A_742 : f32 to vector<64x8192xf32>
      %mul3A_744 = arith.mulf %get3A_741, %mul3A_743 : vector<64x8192xf32>
      %swap3A_745 = arith.constant 0 : index
      %swap3A_746 = arith.constant 0 : index
      %swap3A_747 = vector.load %arg4[%swap3A_745, %swap3A_746] : memref<64x8192xf32, #tpu.memory_space<vmem>>, vector<64x8192xf32>
      tpu.vector_store %arg4[%swap3A_745, %swap3A_746], %mul3A_744 {strides = array<i32>} : memref<64x8192xf32, #tpu.memory_space<vmem>>, vector<64x8192xf32>,
      %mul3A_748 = arith.mulf %get3A_741, %get3A_741 : vector<64x8192xf32>
      %reduce_sum3A = arith.constant dense<0.000000e+00> : vector<8192xf32>
      %reduce_sum3A_749 = vector.multi_reduction <add>, %mul3A_748, %reduce_sum3A [0] : vector<64x8192xf32> to vector<8192xf32>
      %broadcast_in_dim3A_750 = vector.shape_cast %reduce_sum3A_749 : vector<8192xf32> to vector<1x8192xf32>
      %swap3A_751 = arith.constant 0 : index
      %swap3A_752 = arith.constant 0 : index
      %swap3A_753 = vector.load %arg5[%swap3A_751, %swap3A_752] : memref<1x8192xf32, #tpu.memory_space<vmem>>, vector<1x8192xf32>
      tpu.vector_store %arg5[%swap3A_751, %swap3A_752], %broadcast_in_dim3A_750 {strides = array<i32>} : memref<1x8192xf32, #tpu.memory_space<vmem>>, vector<1x8192xf32>,
    } else {
    }
    %get3A = arith.constant 0 : index
    %get3A_2 = arith.constant 0 : index
    %get3A_3 = vector.load %arg1[%get3A, %get3A_2] : memref<256x64xf32, #tpu.memory_space<vmem>>, vector<256x64xf32>
    %iota3A = tpu.iota {dimensions = array<i32: 1>} : vector<256x128xi32>
    %broadcast_in_dim3A = arith.constant 0x7F800000 : f32
    %broadcast_in_dim3A_4 = vector.broadcast %broadcast_in_dim3A : f32 to vector<256x128xf32>
    %broadcast_in_dim3A_5 = arith.constant 0 : i32
    %broadcast_in_dim3A_6 = vector.broadcast %broadcast_in_dim3A_5 : i32 to vector<256x128xi32>
    %get3A_7 = arith.constant 0 : index
    %get3A_8 = arith.constant 0 : index
    %get3A_9 = vector.load %arg4[%get3A_7, %get3A_8] : memref<64x8192xf32, #tpu.memory_space<vmem>>, vector<64x2048xf32>
    %dot_general3A = arith.constant dense<0.000000e+00> : vector<256x2048xf32>
    %dot_general3A_10 = tpu.matmul %get3A_3, %get3A_9, %dot_general3A {dimension_numbers = #tpu.dot_dimension_numbers<[1], [0], [0], [1], [0, 0, 1, 1], [], []>, transpose_lhs_hint = false} : vector<256x64xf32>, vector<64x2048xf32>, vector<256x2048xf32> -> vector<256x2048xf32>
    %get3A_11 = arith.constant 0 : index
    %get3A_12 = arith.constant 0 : index
    %get3A_13 = vector.load %arg5[%get3A_11, %get3A_12] : memref<1x8192xf32, #tpu.memory_space<vmem>>, vector<1x128xf32>
    %slice3A = vector.extract_strided_slice %dot_general3A_10 {offsets = [0, 0], sizes = [256, 128], strides = [1, 1]} : vector<256x2048xf32> to vector<256x128xf32>
    %add3A = vector.broadcast %get3A_13 : vector<1x128xf32> to vector<256x128xf32>
    %add3A_14 = arith.addf %slice3A, %add3A : vector<256x128xf32>
    %lt3A = arith.cmpf olt, %add3A_14, %broadcast_in_dim3A_4 : vector<256x128xf32>
    %select_n3A = arith.select %lt3A, %add3A_14, %broadcast_in_dim3A_4 : vector<256x128xi1>, vector<256x128xf32>
    %jit3A = arith.constant 0 : i32
    %broadcast_in_dim3A_15 = vector.broadcast %jit3A : i32 to vector<256x128xi32>
    %select_n3A_16 = arith.select %lt3A, %broadcast_in_dim3A_15, %broadcast_in_dim3A_6 : vector<256x128xi1>, vector<256x128xi32>
    %get3A_17 = arith.constant 0 : index
    %get3A_18 = arith.constant 128 : index
    %get3A_19 = vector.load %arg5[%get3A_17, %get3A_18] : memref<1x8192xf32, #tpu.memory_space<vmem>>, vector<1x128xf32>
    %slice3A_20 = vector.extract_strided_slice %dot_general3A_10 {offsets = [0, 128], sizes = [256, 128], strides = [1, 1]} : vector<256x2048xf32> to vector<256x128xf32>
    %add3A_21 = vector.broadcast %get3A_19 : vector<1x128xf32> to vector<256x128xf32>
    %add3A_22 = arith.addf %slice3A_20, %add3A_21 : vector<256x128xf32>
    %lt3A_23 = arith.cmpf olt, %add3A_22, %select_n3A : vector<256x128xf32>
    %select_n3A_24 = arith.select %lt3A_23, %add3A_22, %select_n3A : vector<256x128xi1>, vector<256x128xf32>
    %jit3A_25 = arith.constant 1 : i32
    %broadcast_in_dim3A_26 = vector.broadcast %jit3A_25 : i32 to vector<256x128xi32>
    %select_n3A_27 = arith.select %lt3A_23, %broadcast_in_dim3A_26, %select_n3A_16 : vector<256x128xi1>, vector<256x128xi32>
    %get3A_28 = arith.constant 0 : index
    %get3A_29 = arith.constant 256 : index
    %get3A_30 = vector.load %arg5[%get3A_28, %get3A_29] : memref<1x8192xf32, #tpu.memory_space<vmem>>, vector<1x128xf32>
    %slice3A_31 = vector.extract_strided_slice %dot_general3A_10 {offsets = [0, 256], sizes = [256, 128], strides = [1, 1]} : vector<256x2048xf32> to vector<256x128xf32>
    %add3A_32 = vector.broadcast %get3A_30 : vector<1x128xf32> to vector<256x128xf32>
    %add3A_33 = arith.addf %slice3A_31, %add3A_32 : vector<256x128xf32>
    %lt3A_34 = arith.cmpf olt, %add3A_33, %select_n3A_24 : vector<256x128xf32>
    %select_n3A_35 = arith.select %lt3A_34, %add3A_33, %select_n3A_24 : vector<256x128xi1>, vector<256x128xf32>
    %jit3A_36 = arith.constant 2 : i32
    %broadcast_in_dim3A_37 = vector.broadcast %jit3A_36 : i32 to vector<256x128xi32>
    %select_n3A_38 = arith.select %lt3A_34, %broadcast_in_dim3A_37, %select_n3A_27 : vector<256x128xi1>, vector<256x128xi32>
    %get3A_39 = arith.constant 0 : index
    %get3A_40 = arith.constant 384 : index
    %get3A_41 = vector.load %arg5[%get3A_39, %get3A_40] : memref<1x8192xf32, #tpu.memory_space<vmem>>, vector<1x128xf32>
    %slice3A_42 = vector.extract_strided_slice %dot_general3A_10 {offsets = [0, 384], sizes = [256, 128], strides = [1, 1]} : vector<256x2048xf32> to vector<256x128xf32>
    %add3A_43 = vector.broadcast %get3A_41 : vector<1x128xf32> to vector<256x128xf32>
    %add3A_44 = arith.addf %slice3A_42, %add3A_43 : vector<256x128xf32>
    %lt3A_45 = arith.cmpf olt, %add3A_44, %select_n3A_35 : vector<256x128xf32>
    %select_n3A_46 = arith.select %lt3A_45, %add3A_44, %select_n3A_35 : vector<256x128xi1>, vector<256x128xf32>
    %jit3A_47 = arith.constant 3 : i32
    %broadcast_in_dim3A_48 = vector.broadcast %jit3A_47 : i32 to vector<256x128xi32>
    %select_n3A_49 = arith.select %lt3A_45, %broadcast_in_dim3A_48, %select_n3A_38 : vector<256x128xi1>, vector<256x128xi32>
    %get3A_50 = arith.constant 0 : index
    %get3A_51 = arith.constant 512 : index
    %get3A_52 = vector.load %arg5[%get3A_50, %get3A_51] : memref<1x8192xf32, #tpu.memory_space<vmem>>, vector<1x128xf32>
    %slice3A_53 = vector.extract_strided_slice %dot_general3A_10 {offsets = [0, 512], sizes = [256, 128], strides = [1, 1]} : vector<256x2048xf32> to vector<256x128xf32>
    %add3A_54 = vector.broadcast %get3A_52 : vector<1x128xf32> to vector<256x128xf32>
    %add3A_55 = arith.addf %slice3A_53, %add3A_54 : vector<256x128xf32>
    %lt3A_56 = arith.cmpf olt, %add3A_55, %select_n3A_46 : vector<256x128xf32>
    %select_n3A_57 = arith.select %lt3A_56, %add3A_55, %select_n3A_46 : vector<256x128xi1>, vector<256x128xf32>
    %jit3A_58 = arith.constant 4 : i32
    %broadcast_in_dim3A_59 = vector.broadcast %jit3A_58 : i32 to vector<256x128xi32>
    %select_n3A_60 = arith.select %lt3A_56, %broadcast_in_dim3A_59, %select_n3A_49 : vector<256x128xi1>, vector<256x128xi32>
    %get3A_61 = arith.constant 0 : index
    %get3A_62 = arith.constant 640 : index
    %get3A_63 = vector.load %arg5[%get3A_61, %get3A_62] : memref<1x8192xf32, #tpu.memory_space<vmem>>, vector<1x128xf32>
    %slice3A_64 = vector.extract_strided_slice %dot_general3A_10 {offsets = [0, 640], sizes = [256, 128], strides = [1, 1]} : vector<256x2048xf32> to vector<256x128xf32>
    %add3A_65 = vector.broadcast %get3A_63 : vector<1x128xf32> to vector<256x128xf32>
    %add3A_66 = arith.addf %slice3A_64, %add3A_65 : vector<256x128xf32>
    %lt3A_67 = arith.cmpf olt, %add3A_66, %select_n3A_57 : vector<256x128xf32>
    %select_n3A_68 = arith.select %lt3A_67, %add3A_66, %select_n3A_57 : vector<256x128xi1>, vector<256x128xf32>
    %jit3A_69 = arith.constant 5 : i32
    %broadcast_in_dim3A_70 = vector.broadcast %jit3A_69 : i32 to vector<256x128xi32>
    %select_n3A_71 = arith.select %lt3A_67, %broadcast_in_dim3A_70, %select_n3A_60 : vector<256x128xi1>, vector<256x128xi32>
    %get3A_72 = arith.constant 0 : index
    %get3A_73 = arith.constant 768 : index
    %get3A_74 = vector.load %arg5[%get3A_72, %get3A_73] : memref<1x8192xf32, #tpu.memory_space<vmem>>, vector<1x128xf32>
    %slice3A_75 = vector.extract_strided_slice %dot_general3A_10 {offsets = [0, 768], sizes = [256, 128], strides = [1, 1]} : vector<256x2048xf32> to vector<256x128xf32>
    %add3A_76 = vector.broadcast %get3A_74 : vector<1x128xf32> to vector<256x128xf32>
    %add3A_77 = arith.addf %slice3A_75, %add3A_76 : vector<256x128xf32>
    %lt3A_78 = arith.cmpf olt, %add3A_77, %select_n3A_68 : vector<256x128xf32>
    %select_n3A_79 = arith.select %lt3A_78, %add3A_77, %select_n3A_68 : vector<256x128xi1>, vector<256x128xf32>
    %jit3A_80 = arith.constant 6 : i32
    %broadcast_in_dim3A_81 = vector.broadcast %jit3A_80 : i32 to vector<256x128xi32>
    %select_n3A_82 = arith.select %lt3A_78, %broadcast_in_dim3A_81, %select_n3A_71 : vector<256x128xi1>, vector<256x128xi32>
    %get3A_83 = arith.constant 0 : index
    %get3A_84 = arith.constant 896 : index
    %get3A_85 = vector.load %arg5[%get3A_83, %get3A_84] : memref<1x8192xf32, #tpu.memory_space<vmem>>, vector<1x128xf32>
    %slice3A_86 = vector.extract_strided_slice %dot_general3A_10 {offsets = [0, 896], sizes = [256, 128], strides = [1, 1]} : vector<256x2048xf32> to vector<256x128xf32>
    %add3A_87 = vector.broadcast %get3A_85 : vector<1x128xf32> to vector<256x128xf32>
    %add3A_88 = arith.addf %slice3A_86, %add3A_87 : vector<256x128xf32>
    %lt3A_89 = arith.cmpf olt, %add3A_88, %select_n3A_79 : vector<256x128xf32>
    %select_n3A_90 = arith.select %lt3A_89, %add3A_88, %select_n3A_79 : vector<256x128xi1>, vector<256x128xf32>
    %jit3A_91 = arith.constant 7 : i32
    %broadcast_in_dim3A_92 = vector.broadcast %jit3A_91 : i32 to vector<256x128xi32>
    %select_n3A_93 = arith.select %lt3A_89, %broadcast_in_dim3A_92, %select_n3A_82 : vector<256x128xi1>, vector<256x128xi32>
    %get3A_94 = arith.constant 0 : index
    %get3A_95 = arith.constant 1024 : index
    %get3A_96 = vector.load %arg5[%get3A_94, %get3A_95] : memref<1x8192xf32, #tpu.memory_space<vmem>>, vector<1x128xf32>
    %slice3A_97 = vector.extract_strided_slice %dot_general3A_10 {offsets = [0, 1024], sizes = [256, 128], strides = [1, 1]} : vector<256x2048xf32> to vector<256x128xf32>
    %add3A_98 = vector.broadcast %get3A_96 : vector<1x128xf32> to vector<256x128xf32>
    %add3A_99 = arith.addf %slice3A_97, %add3A_98 : vector<256x128xf32>
    %lt3A_100 = arith.cmpf olt, %add3A_99, %select_n3A_90 : vector<256x128xf32>
    %select_n3A_101 = arith.select %lt3A_100, %add3A_99, %select_n3A_90 : vector<256x128xi1>, vector<256x128xf32>
    %jit3A_102 = arith.constant 8 : i32
    %broadcast_in_dim3A_103 = vector.broadcast %jit3A_102 : i32 to vector<256x128xi32>
    %select_n3A_104 = arith.select %lt3A_100, %broadcast_in_dim3A_103, %select_n3A_93 : vector<256x128xi1>, vector<256x128xi32>
    %get3A_105 = arith.constant 0 : index
    %get3A_106 = arith.constant 1152 : index
    %get3A_107 = vector.load %arg5[%get3A_105, %get3A_106] : memref<1x8192xf32, #tpu.memory_space<vmem>>, vector<1x128xf32>
    %slice3A_108 = vector.extract_strided_slice %dot_general3A_10 {offsets = [0, 1152], sizes = [256, 128], strides = [1, 1]} : vector<256x2048xf32> to vector<256x128xf32>
    %add3A_109 = vector.broadcast %get3A_107 : vector<1x128xf32> to vector<256x128xf32>
    %add3A_110 = arith.addf %slice3A_108, %add3A_109 : vector<256x128xf32>
    %lt3A_111 = arith.cmpf olt, %add3A_110, %select_n3A_101 : vector<256x128xf32>
    %select_n3A_112 = arith.select %lt3A_111, %add3A_110, %select_n3A_101 : vector<256x128xi1>, vector<256x128xf32>
    %jit3A_113 = arith.constant 9 : i32
    %broadcast_in_dim3A_114 = vector.broadcast %jit3A_113 : i32 to vector<256x128xi32>
    %select_n3A_115 = arith.select %lt3A_111, %broadcast_in_dim3A_114, %select_n3A_104 : vector<256x128xi1>, vector<256x128xi32>
    %get3A_116 = arith.constant 0 : index
    %get3A_117 = arith.constant 1280 : index
    %get3A_118 = vector.load %arg5[%get3A_116, %get3A_117] : memref<1x8192xf32, #tpu.memory_space<vmem>>, vector<1x128xf32>
    %slice3A_119 = vector.extract_strided_slice %dot_general3A_10 {offsets = [0, 1280], sizes = [256, 128], strides = [1, 1]} : vector<256x2048xf32> to vector<256x128xf32>
    %add3A_120 = vector.broadcast %get3A_118 : vector<1x128xf32> to vector<256x128xf32>
    %add3A_121 = arith.addf %slice3A_119, %add3A_120 : vector<256x128xf32>
    %lt3A_122 = arith.cmpf olt, %add3A_121, %select_n3A_112 : vector<256x128xf32>
    %select_n3A_123 = arith.select %lt3A_122, %add3A_121, %select_n3A_112 : vector<256x128xi1>, vector<256x128xf32>
    %jit3A_124 = arith.constant 10 : i32
    %broadcast_in_dim3A_125 = vector.broadcast %jit3A_124 : i32 to vector<256x128xi32>
    %select_n3A_126 = arith.select %lt3A_122, %broadcast_in_dim3A_125, %select_n3A_115 : vector<256x128xi1>, vector<256x128xi32>
    %get3A_127 = arith.constant 0 : index
    %get3A_128 = arith.constant 1408 : index
    %get3A_129 = vector.load %arg5[%get3A_127, %get3A_128] : memref<1x8192xf32, #tpu.memory_space<vmem>>, vector<1x128xf32>
    %slice3A_130 = vector.extract_strided_slice %dot_general3A_10 {offsets = [0, 1408], sizes = [256, 128], strides = [1, 1]} : vector<256x2048xf32> to vector<256x128xf32>
    %add3A_131 = vector.broadcast %get3A_129 : vector<1x128xf32> to vector<256x128xf32>
    %add3A_132 = arith.addf %slice3A_130, %add3A_131 : vector<256x128xf32>
    %lt3A_133 = arith.cmpf olt, %add3A_132, %select_n3A_123 : vector<256x128xf32>
    %select_n3A_134 = arith.select %lt3A_133, %add3A_132, %select_n3A_123 : vector<256x128xi1>, vector<256x128xf32>
    %jit3A_135 = arith.constant 11 : i32
    %broadcast_in_dim3A_136 = vector.broadcast %jit3A_135 : i32 to vector<256x128xi32>
    %select_n3A_137 = arith.select %lt3A_133, %broadcast_in_dim3A_136, %select_n3A_126 : vector<256x128xi1>, vector<256x128xi32>
    %get3A_138 = arith.constant 0 : index
    %get3A_139 = arith.constant 1536 : index
    %get3A_140 = vector.load %arg5[%get3A_138, %get3A_139] : memref<1x8192xf32, #tpu.memory_space<vmem>>, vector<1x128xf32>
    %slice3A_141 = vector.extract_strided_slice %dot_general3A_10 {offsets = [0, 1536], sizes = [256, 128], strides = [1, 1]} : vector<256x2048xf32> to vector<256x128xf32>
    %add3A_142 = vector.broadcast %get3A_140 : vector<1x128xf32> to vector<256x128xf32>
    %add3A_143 = arith.addf %slice3A_141, %add3A_142 : vector<256x128xf32>
    %lt3A_144 = arith.cmpf olt, %add3A_143, %select_n3A_134 : vector<256x128xf32>
    %select_n3A_145 = arith.select %lt3A_144, %add3A_143, %select_n3A_134 : vector<256x128xi1>, vector<256x128xf32>
    %jit3A_146 = arith.constant 12 : i32
    %broadcast_in_dim3A_147 = vector.broadcast %jit3A_146 : i32 to vector<256x128xi32>
    %select_n3A_148 = arith.select %lt3A_144, %broadcast_in_dim3A_147, %select_n3A_137 : vector<256x128xi1>, vector<256x128xi32>
    %get3A_149 = arith.constant 0 : index
    %get3A_150 = arith.constant 1664 : index
    %get3A_151 = vector.load %arg5[%get3A_149, %get3A_150] : memref<1x8192xf32, #tpu.memory_space<vmem>>, vector<1x128xf32>
    %slice3A_152 = vector.extract_strided_slice %dot_general3A_10 {offsets = [0, 1664], sizes = [256, 128], strides = [1, 1]} : vector<256x2048xf32> to vector<256x128xf32>
    %add3A_153 = vector.broadcast %get3A_151 : vector<1x128xf32> to vector<256x128xf32>
    %add3A_154 = arith.addf %slice3A_152, %add3A_153 : vector<256x128xf32>
    %lt3A_155 = arith.cmpf olt, %add3A_154, %select_n3A_145 : vector<256x128xf32>
    %select_n3A_156 = arith.select %lt3A_155, %add3A_154, %select_n3A_145 : vector<256x128xi1>, vector<256x128xf32>
    %jit3A_157 = arith.constant 13 : i32
    %broadcast_in_dim3A_158 = vector.broadcast %jit3A_157 : i32 to vector<256x128xi32>
    %select_n3A_159 = arith.select %lt3A_155, %broadcast_in_dim3A_158, %select_n3A_148 : vector<256x128xi1>, vector<256x128xi32>
    %get3A_160 = arith.constant 0 : index
    %get3A_161 = arith.constant 1792 : index
    %get3A_162 = vector.load %arg5[%get3A_160, %get3A_161] : memref<1x8192xf32, #tpu.memory_space<vmem>>, vector<1x128xf32>
    %slice3A_163 = vector.extract_strided_slice %dot_general3A_10 {offsets = [0, 1792], sizes = [256, 128], strides = [1, 1]} : vector<256x2048xf32> to vector<256x128xf32>
    %add3A_164 = vector.broadcast %get3A_162 : vector<1x128xf32> to vector<256x128xf32>
    %add3A_165 = arith.addf %slice3A_163, %add3A_164 : vector<256x128xf32>
    %lt3A_166 = arith.cmpf olt, %add3A_165, %select_n3A_156 : vector<256x128xf32>
    %select_n3A_167 = arith.select %lt3A_166, %add3A_165, %select_n3A_156 : vector<256x128xi1>, vector<256x128xf32>
    %jit3A_168 = arith.constant 14 : i32
    %broadcast_in_dim3A_169 = vector.broadcast %jit3A_168 : i32 to vector<256x128xi32>
    %select_n3A_170 = arith.select %lt3A_166, %broadcast_in_dim3A_169, %select_n3A_159 : vector<256x128xi1>, vector<256x128xi32>
    %get3A_171 = arith.constant 0 : index
    %get3A_172 = arith.constant 1920 : index
    %get3A_173 = vector.load %arg5[%get3A_171, %get3A_172] : memref<1x8192xf32, #tpu.memory_space<vmem>>, vector<1x128xf32>
    %slice3A_174 = vector.extract_strided_slice %dot_general3A_10 {offsets = [0, 1920], sizes = [256, 128], strides = [1, 1]} : vector<256x2048xf32> to vector<256x128xf32>
    %add3A_175 = vector.broadcast %get3A_173 : vector<1x128xf32> to vector<256x128xf32>
    %add3A_176 = arith.addf %slice3A_174, %add3A_175 : vector<256x128xf32>
    %lt3A_177 = arith.cmpf olt, %add3A_176, %select_n3A_167 : vector<256x128xf32>
    %select_n3A_178 = arith.select %lt3A_177, %add3A_176, %select_n3A_167 : vector<256x128xi1>, vector<256x128xf32>
    %jit3A_179 = arith.constant 15 : i32
    %broadcast_in_dim3A_180 = vector.broadcast %jit3A_179 : i32 to vector<256x128xi32>
    %select_n3A_181 = arith.select %lt3A_177, %broadcast_in_dim3A_180, %select_n3A_170 : vector<256x128xi1>, vector<256x128xi32>
    %get3A_182 = arith.constant 0 : index
    %get3A_183 = arith.constant 2048 : index
    %get3A_184 = vector.load %arg4[%get3A_182, %get3A_183] : memref<64x8192xf32, #tpu.memory_space<vmem>>, vector<64x2048xf32>
    %dot_general3A_185 = arith.constant dense<0.000000e+00> : vector<256x2048xf32>
    %dot_general3A_186 = tpu.matmul %get3A_3, %get3A_184, %dot_general3A_185 {dimension_numbers = #tpu.dot_dimension_numbers<[1], [0], [0], [1], [0, 0, 1, 1], [], []>, transpose_lhs_hint = false} : vector<256x64xf32>, vector<64x2048xf32>, vector<256x2048xf32> -> vector<256x2048xf32>
    %get3A_187 = arith.constant 0 : index
    %get3A_188 = arith.constant 2048 : index
    %get3A_189 = vector.load %arg5[%get3A_187, %get3A_188] : memref<1x8192xf32, #tpu.memory_space<vmem>>, vector<1x128xf32>
    %slice3A_190 = vector.extract_strided_slice %dot_general3A_186 {offsets = [0, 0], sizes = [256, 128], strides = [1, 1]} : vector<256x2048xf32> to vector<256x128xf32>
    %add3A_191 = vector.broadcast %get3A_189 : vector<1x128xf32> to vector<256x128xf32>
    %add3A_192 = arith.addf %slice3A_190, %add3A_191 : vector<256x128xf32>
    %lt3A_193 = arith.cmpf olt, %add3A_192, %select_n3A_178 : vector<256x128xf32>
    %select_n3A_194 = arith.select %lt3A_193, %add3A_192, %select_n3A_178 : vector<256x128xi1>, vector<256x128xf32>
    %jit3A_195 = arith.constant 16 : i32
    %broadcast_in_dim3A_196 = vector.broadcast %jit3A_195 : i32 to vector<256x128xi32>
    %select_n3A_197 = arith.select %lt3A_193, %broadcast_in_dim3A_196, %select_n3A_181 : vector<256x128xi1>, vector<256x128xi32>
    %get3A_198 = arith.constant 0 : index
    %get3A_199 = arith.constant 2176 : index
    %get3A_200 = vector.load %arg5[%get3A_198, %get3A_199] : memref<1x8192xf32, #tpu.memory_space<vmem>>, vector<1x128xf32>
    %slice3A_201 = vector.extract_strided_slice %dot_general3A_186 {offsets = [0, 128], sizes = [256, 128], strides = [1, 1]} : vector<256x2048xf32> to vector<256x128xf32>
    %add3A_202 = vector.broadcast %get3A_200 : vector<1x128xf32> to vector<256x128xf32>
    %add3A_203 = arith.addf %slice3A_201, %add3A_202 : vector<256x128xf32>
    %lt3A_204 = arith.cmpf olt, %add3A_203, %select_n3A_194 : vector<256x128xf32>
    %select_n3A_205 = arith.select %lt3A_204, %add3A_203, %select_n3A_194 : vector<256x128xi1>, vector<256x128xf32>
    %jit3A_206 = arith.constant 17 : i32
    %broadcast_in_dim3A_207 = vector.broadcast %jit3A_206 : i32 to vector<256x128xi32>
    %select_n3A_208 = arith.select %lt3A_204, %broadcast_in_dim3A_207, %select_n3A_197 : vector<256x128xi1>, vector<256x128xi32>
    %get3A_209 = arith.constant 0 : index
    %get3A_210 = arith.constant 2304 : index
    %get3A_211 = vector.load %arg5[%get3A_209, %get3A_210] : memref<1x8192xf32, #tpu.memory_space<vmem>>, vector<1x128xf32>
    %slice3A_212 = vector.extract_strided_slice %dot_general3A_186 {offsets = [0, 256], sizes = [256, 128], strides = [1, 1]} : vector<256x2048xf32> to vector<256x128xf32>
    %add3A_213 = vector.broadcast %get3A_211 : vector<1x128xf32> to vector<256x128xf32>
    %add3A_214 = arith.addf %slice3A_212, %add3A_213 : vector<256x128xf32>
    %lt3A_215 = arith.cmpf olt, %add3A_214, %select_n3A_205 : vector<256x128xf32>
    %select_n3A_216 = arith.select %lt3A_215, %add3A_214, %select_n3A_205 : vector<256x128xi1>, vector<256x128xf32>
    %jit3A_217 = arith.constant 18 : i32
    %broadcast_in_dim3A_218 = vector.broadcast %jit3A_217 : i32 to vector<256x128xi32>
    %select_n3A_219 = arith.select %lt3A_215, %broadcast_in_dim3A_218, %select_n3A_208 : vector<256x128xi1>, vector<256x128xi32>
    %get3A_220 = arith.constant 0 : index
    %get3A_221 = arith.constant 2432 : index
    %get3A_222 = vector.load %arg5[%get3A_220, %get3A_221] : memref<1x8192xf32, #tpu.memory_space<vmem>>, vector<1x128xf32>
    %slice3A_223 = vector.extract_strided_slice %dot_general3A_186 {offsets = [0, 384], sizes = [256, 128], strides = [1, 1]} : vector<256x2048xf32> to vector<256x128xf32>
    %add3A_224 = vector.broadcast %get3A_222 : vector<1x128xf32> to vector<256x128xf32>
    %add3A_225 = arith.addf %slice3A_223, %add3A_224 : vector<256x128xf32>
    %lt3A_226 = arith.cmpf olt, %add3A_225, %select_n3A_216 : vector<256x128xf32>
    %select_n3A_227 = arith.select %lt3A_226, %add3A_225, %select_n3A_216 : vector<256x128xi1>, vector<256x128xf32>
    %jit3A_228 = arith.constant 19 : i32
    %broadcast_in_dim3A_229 = vector.broadcast %jit3A_228 : i32 to vector<256x128xi32>
    %select_n3A_230 = arith.select %lt3A_226, %broadcast_in_dim3A_229, %select_n3A_219 : vector<256x128xi1>, vector<256x128xi32>
    %get3A_231 = arith.constant 0 : index
    %get3A_232 = arith.constant 2560 : index
    %get3A_233 = vector.load %arg5[%get3A_231, %get3A_232] : memref<1x8192xf32, #tpu.memory_space<vmem>>, vector<1x128xf32>
    %slice3A_234 = vector.extract_strided_slice %dot_general3A_186 {offsets = [0, 512], sizes = [256, 128], strides = [1, 1]} : vector<256x2048xf32> to vector<256x128xf32>
    %add3A_235 = vector.broadcast %get3A_233 : vector<1x128xf32> to vector<256x128xf32>
    %add3A_236 = arith.addf %slice3A_234, %add3A_235 : vector<256x128xf32>
    %lt3A_237 = arith.cmpf olt, %add3A_236, %select_n3A_227 : vector<256x128xf32>
    %select_n3A_238 = arith.select %lt3A_237, %add3A_236, %select_n3A_227 : vector<256x128xi1>, vector<256x128xf32>
    %jit3A_239 = arith.constant 20 : i32
    %broadcast_in_dim3A_240 = vector.broadcast %jit3A_239 : i32 to vector<256x128xi32>
    %select_n3A_241 = arith.select %lt3A_237, %broadcast_in_dim3A_240, %select_n3A_230 : vector<256x128xi1>, vector<256x128xi32>
    %get3A_242 = arith.constant 0 : index
    %get3A_243 = arith.constant 2688 : index
    %get3A_244 = vector.load %arg5[%get3A_242, %get3A_243] : memref<1x8192xf32, #tpu.memory_space<vmem>>, vector<1x128xf32>
    %slice3A_245 = vector.extract_strided_slice %dot_general3A_186 {offsets = [0, 640], sizes = [256, 128], strides = [1, 1]} : vector<256x2048xf32> to vector<256x128xf32>
    %add3A_246 = vector.broadcast %get3A_244 : vector<1x128xf32> to vector<256x128xf32>
    %add3A_247 = arith.addf %slice3A_245, %add3A_246 : vector<256x128xf32>
    %lt3A_248 = arith.cmpf olt, %add3A_247, %select_n3A_238 : vector<256x128xf32>
    %select_n3A_249 = arith.select %lt3A_248, %add3A_247, %select_n3A_238 : vector<256x128xi1>, vector<256x128xf32>
    %jit3A_250 = arith.constant 21 : i32
    %broadcast_in_dim3A_251 = vector.broadcast %jit3A_250 : i32 to vector<256x128xi32>
    %select_n3A_252 = arith.select %lt3A_248, %broadcast_in_dim3A_251, %select_n3A_241 : vector<256x128xi1>, vector<256x128xi32>
    %get3A_253 = arith.constant 0 : index
    %get3A_254 = arith.constant 2816 : index
    %get3A_255 = vector.load %arg5[%get3A_253, %get3A_254] : memref<1x8192xf32, #tpu.memory_space<vmem>>, vector<1x128xf32>
    %slice3A_256 = vector.extract_strided_slice %dot_general3A_186 {offsets = [0, 768], sizes = [256, 128], strides = [1, 1]} : vector<256x2048xf32> to vector<256x128xf32>
    %add3A_257 = vector.broadcast %get3A_255 : vector<1x128xf32> to vector<256x128xf32>
    %add3A_258 = arith.addf %slice3A_256, %add3A_257 : vector<256x128xf32>
    %lt3A_259 = arith.cmpf olt, %add3A_258, %select_n3A_249 : vector<256x128xf32>
    %select_n3A_260 = arith.select %lt3A_259, %add3A_258, %select_n3A_249 : vector<256x128xi1>, vector<256x128xf32>
    %jit3A_261 = arith.constant 22 : i32
    %broadcast_in_dim3A_262 = vector.broadcast %jit3A_261 : i32 to vector<256x128xi32>
    %select_n3A_263 = arith.select %lt3A_259, %broadcast_in_dim3A_262, %select_n3A_252 : vector<256x128xi1>, vector<256x128xi32>
    %get3A_264 = arith.constant 0 : index
    %get3A_265 = arith.constant 2944 : index
    %get3A_266 = vector.load %arg5[%get3A_264, %get3A_265] : memref<1x8192xf32, #tpu.memory_space<vmem>>, vector<1x128xf32>
    %slice3A_267 = vector.extract_strided_slice %dot_general3A_186 {offsets = [0, 896], sizes = [256, 128], strides = [1, 1]} : vector<256x2048xf32> to vector<256x128xf32>
    %add3A_268 = vector.broadcast %get3A_266 : vector<1x128xf32> to vector<256x128xf32>
    %add3A_269 = arith.addf %slice3A_267, %add3A_268 : vector<256x128xf32>
    %lt3A_270 = arith.cmpf olt, %add3A_269, %select_n3A_260 : vector<256x128xf32>
    %select_n3A_271 = arith.select %lt3A_270, %add3A_269, %select_n3A_260 : vector<256x128xi1>, vector<256x128xf32>
    %jit3A_272 = arith.constant 23 : i32
    %broadcast_in_dim3A_273 = vector.broadcast %jit3A_272 : i32 to vector<256x128xi32>
    %select_n3A_274 = arith.select %lt3A_270, %broadcast_in_dim3A_273, %select_n3A_263 : vector<256x128xi1>, vector<256x128xi32>
    %get3A_275 = arith.constant 0 : index
    %get3A_276 = arith.constant 3072 : index
    %get3A_277 = vector.load %arg5[%get3A_275, %get3A_276] : memref<1x8192xf32, #tpu.memory_space<vmem>>, vector<1x128xf32>
    %slice3A_278 = vector.extract_strided_slice %dot_general3A_186 {offsets = [0, 1024], sizes = [256, 128], strides = [1, 1]} : vector<256x2048xf32> to vector<256x128xf32>
    %add3A_279 = vector.broadcast %get3A_277 : vector<1x128xf32> to vector<256x128xf32>
    %add3A_280 = arith.addf %slice3A_278, %add3A_279 : vector<256x128xf32>
    %lt3A_281 = arith.cmpf olt, %add3A_280, %select_n3A_271 : vector<256x128xf32>
    %select_n3A_282 = arith.select %lt3A_281, %add3A_280, %select_n3A_271 : vector<256x128xi1>, vector<256x128xf32>
    %jit3A_283 = arith.constant 24 : i32
    %broadcast_in_dim3A_284 = vector.broadcast %jit3A_283 : i32 to vector<256x128xi32>
    %select_n3A_285 = arith.select %lt3A_281, %broadcast_in_dim3A_284, %select_n3A_274 : vector<256x128xi1>, vector<256x128xi32>
    %get3A_286 = arith.constant 0 : index
    %get3A_287 = arith.constant 3200 : index
    %get3A_288 = vector.load %arg5[%get3A_286, %get3A_287] : memref<1x8192xf32, #tpu.memory_space<vmem>>, vector<1x128xf32>
    %slice3A_289 = vector.extract_strided_slice %dot_general3A_186 {offsets = [0, 1152], sizes = [256, 128], strides = [1, 1]} : vector<256x2048xf32> to vector<256x128xf32>
    %add3A_290 = vector.broadcast %get3A_288 : vector<1x128xf32> to vector<256x128xf32>
    %add3A_291 = arith.addf %slice3A_289, %add3A_290 : vector<256x128xf32>
    %lt3A_292 = arith.cmpf olt, %add3A_291, %select_n3A_282 : vector<256x128xf32>
    %select_n3A_293 = arith.select %lt3A_292, %add3A_291, %select_n3A_282 : vector<256x128xi1>, vector<256x128xf32>
    %jit3A_294 = arith.constant 25 : i32
    %broadcast_in_dim3A_295 = vector.broadcast %jit3A_294 : i32 to vector<256x128xi32>
    %select_n3A_296 = arith.select %lt3A_292, %broadcast_in_dim3A_295, %select_n3A_285 : vector<256x128xi1>, vector<256x128xi32>
    %get3A_297 = arith.constant 0 : index
    %get3A_298 = arith.constant 3328 : index
    %get3A_299 = vector.load %arg5[%get3A_297, %get3A_298] : memref<1x8192xf32, #tpu.memory_space<vmem>>, vector<1x128xf32>
    %slice3A_300 = vector.extract_strided_slice %dot_general3A_186 {offsets = [0, 1280], sizes = [256, 128], strides = [1, 1]} : vector<256x2048xf32> to vector<256x128xf32>
    %add3A_301 = vector.broadcast %get3A_299 : vector<1x128xf32> to vector<256x128xf32>
    %add3A_302 = arith.addf %slice3A_300, %add3A_301 : vector<256x128xf32>
    %lt3A_303 = arith.cmpf olt, %add3A_302, %select_n3A_293 : vector<256x128xf32>
    %select_n3A_304 = arith.select %lt3A_303, %add3A_302, %select_n3A_293 : vector<256x128xi1>, vector<256x128xf32>
    %jit3A_305 = arith.constant 26 : i32
    %broadcast_in_dim3A_306 = vector.broadcast %jit3A_305 : i32 to vector<256x128xi32>
    %select_n3A_307 = arith.select %lt3A_303, %broadcast_in_dim3A_306, %select_n3A_296 : vector<256x128xi1>, vector<256x128xi32>
    %get3A_308 = arith.constant 0 : index
    %get3A_309 = arith.constant 3456 : index
    %get3A_310 = vector.load %arg5[%get3A_308, %get3A_309] : memref<1x8192xf32, #tpu.memory_space<vmem>>, vector<1x128xf32>
    %slice3A_311 = vector.extract_strided_slice %dot_general3A_186 {offsets = [0, 1408], sizes = [256, 128], strides = [1, 1]} : vector<256x2048xf32> to vector<256x128xf32>
    %add3A_312 = vector.broadcast %get3A_310 : vector<1x128xf32> to vector<256x128xf32>
    %add3A_313 = arith.addf %slice3A_311, %add3A_312 : vector<256x128xf32>
    %lt3A_314 = arith.cmpf olt, %add3A_313, %select_n3A_304 : vector<256x128xf32>
    %select_n3A_315 = arith.select %lt3A_314, %add3A_313, %select_n3A_304 : vector<256x128xi1>, vector<256x128xf32>
    %jit3A_316 = arith.constant 27 : i32
    %broadcast_in_dim3A_317 = vector.broadcast %jit3A_316 : i32 to vector<256x128xi32>
    %select_n3A_318 = arith.select %lt3A_314, %broadcast_in_dim3A_317, %select_n3A_307 : vector<256x128xi1>, vector<256x128xi32>
    %get3A_319 = arith.constant 0 : index
    %get3A_320 = arith.constant 3584 : index
    %get3A_321 = vector.load %arg5[%get3A_319, %get3A_320] : memref<1x8192xf32, #tpu.memory_space<vmem>>, vector<1x128xf32>
    %slice3A_322 = vector.extract_strided_slice %dot_general3A_186 {offsets = [0, 1536], sizes = [256, 128], strides = [1, 1]} : vector<256x2048xf32> to vector<256x128xf32>
    %add3A_323 = vector.broadcast %get3A_321 : vector<1x128xf32> to vector<256x128xf32>
    %add3A_324 = arith.addf %slice3A_322, %add3A_323 : vector<256x128xf32>
    %lt3A_325 = arith.cmpf olt, %add3A_324, %select_n3A_315 : vector<256x128xf32>
    %select_n3A_326 = arith.select %lt3A_325, %add3A_324, %select_n3A_315 : vector<256x128xi1>, vector<256x128xf32>
    %jit3A_327 = arith.constant 28 : i32
    %broadcast_in_dim3A_328 = vector.broadcast %jit3A_327 : i32 to vector<256x128xi32>
    %select_n3A_329 = arith.select %lt3A_325, %broadcast_in_dim3A_328, %select_n3A_318 : vector<256x128xi1>, vector<256x128xi32>
    %get3A_330 = arith.constant 0 : index
    %get3A_331 = arith.constant 3712 : index
    %get3A_332 = vector.load %arg5[%get3A_330, %get3A_331] : memref<1x8192xf32, #tpu.memory_space<vmem>>, vector<1x128xf32>
    %slice3A_333 = vector.extract_strided_slice %dot_general3A_186 {offsets = [0, 1664], sizes = [256, 128], strides = [1, 1]} : vector<256x2048xf32> to vector<256x128xf32>
    %add3A_334 = vector.broadcast %get3A_332 : vector<1x128xf32> to vector<256x128xf32>
    %add3A_335 = arith.addf %slice3A_333, %add3A_334 : vector<256x128xf32>
    %lt3A_336 = arith.cmpf olt, %add3A_335, %select_n3A_326 : vector<256x128xf32>
    %select_n3A_337 = arith.select %lt3A_336, %add3A_335, %select_n3A_326 : vector<256x128xi1>, vector<256x128xf32>
    %jit3A_338 = arith.constant 29 : i32
    %broadcast_in_dim3A_339 = vector.broadcast %jit3A_338 : i32 to vector<256x128xi32>
    %select_n3A_340 = arith.select %lt3A_336, %broadcast_in_dim3A_339, %select_n3A_329 : vector<256x128xi1>, vector<256x128xi32>
    %get3A_341 = arith.constant 0 : index
    %get3A_342 = arith.constant 3840 : index
    %get3A_343 = vector.load %arg5[%get3A_341, %get3A_342] : memref<1x8192xf32, #tpu.memory_space<vmem>>, vector<1x128xf32>
    %slice3A_344 = vector.extract_strided_slice %dot_general3A_186 {offsets = [0, 1792], sizes = [256, 128], strides = [1, 1]} : vector<256x2048xf32> to vector<256x128xf32>
    %add3A_345 = vector.broadcast %get3A_343 : vector<1x128xf32> to vector<256x128xf32>
    %add3A_346 = arith.addf %slice3A_344, %add3A_345 : vector<256x128xf32>
    %lt3A_347 = arith.cmpf olt, %add3A_346, %select_n3A_337 : vector<256x128xf32>
    %select_n3A_348 = arith.select %lt3A_347, %add3A_346, %select_n3A_337 : vector<256x128xi1>, vector<256x128xf32>
    %jit3A_349 = arith.constant 30 : i32
    %broadcast_in_dim3A_350 = vector.broadcast %jit3A_349 : i32 to vector<256x128xi32>
    %select_n3A_351 = arith.select %lt3A_347, %broadcast_in_dim3A_350, %select_n3A_340 : vector<256x128xi1>, vector<256x128xi32>
    %get3A_352 = arith.constant 0 : index
    %get3A_353 = arith.constant 3968 : index
    %get3A_354 = vector.load %arg5[%get3A_352, %get3A_353] : memref<1x8192xf32, #tpu.memory_space<vmem>>, vector<1x128xf32>
    %slice3A_355 = vector.extract_strided_slice %dot_general3A_186 {offsets = [0, 1920], sizes = [256, 128], strides = [1, 1]} : vector<256x2048xf32> to vector<256x128xf32>
    %add3A_356 = vector.broadcast %get3A_354 : vector<1x128xf32> to vector<256x128xf32>
    %add3A_357 = arith.addf %slice3A_355, %add3A_356 : vector<256x128xf32>
    %lt3A_358 = arith.cmpf olt, %add3A_357, %select_n3A_348 : vector<256x128xf32>
    %select_n3A_359 = arith.select %lt3A_358, %add3A_357, %select_n3A_348 : vector<256x128xi1>, vector<256x128xf32>
    %jit3A_360 = arith.constant 31 : i32
    %broadcast_in_dim3A_361 = vector.broadcast %jit3A_360 : i32 to vector<256x128xi32>
    %select_n3A_362 = arith.select %lt3A_358, %broadcast_in_dim3A_361, %select_n3A_351 : vector<256x128xi1>, vector<256x128xi32>
    %get3A_363 = arith.constant 0 : index
    %get3A_364 = arith.constant 4096 : index
    %get3A_365 = vector.load %arg4[%get3A_363, %get3A_364] : memref<64x8192xf32, #tpu.memory_space<vmem>>, vector<64x2048xf32>
    %dot_general3A_366 = arith.constant dense<0.000000e+00> : vector<256x2048xf32>
    %dot_general3A_367 = tpu.matmul %get3A_3, %get3A_365, %dot_general3A_366 {dimension_numbers = #tpu.dot_dimension_numbers<[1], [0], [0], [1], [0, 0, 1, 1], [], []>, transpose_lhs_hint = false} : vector<256x64xf32>, vector<64x2048xf32>, vector<256x2048xf32> -> vector<256x2048xf32>
    %get3A_368 = arith.constant 0 : index
    %get3A_369 = arith.constant 4096 : index
    %get3A_370 = vector.load %arg5[%get3A_368, %get3A_369] : memref<1x8192xf32, #tpu.memory_space<vmem>>, vector<1x128xf32>
    %slice3A_371 = vector.extract_strided_slice %dot_general3A_367 {offsets = [0, 0], sizes = [256, 128], strides = [1, 1]} : vector<256x2048xf32> to vector<256x128xf32>
    %add3A_372 = vector.broadcast %get3A_370 : vector<1x128xf32> to vector<256x128xf32>
    %add3A_373 = arith.addf %slice3A_371, %add3A_372 : vector<256x128xf32>
    %lt3A_374 = arith.cmpf olt, %add3A_373, %select_n3A_359 : vector<256x128xf32>
    %select_n3A_375 = arith.select %lt3A_374, %add3A_373, %select_n3A_359 : vector<256x128xi1>, vector<256x128xf32>
    %jit3A_376 = arith.constant 32 : i32
    %broadcast_in_dim3A_377 = vector.broadcast %jit3A_376 : i32 to vector<256x128xi32>
    %select_n3A_378 = arith.select %lt3A_374, %broadcast_in_dim3A_377, %select_n3A_362 : vector<256x128xi1>, vector<256x128xi32>
    %get3A_379 = arith.constant 0 : index
    %get3A_380 = arith.constant 4224 : index
    %get3A_381 = vector.load %arg5[%get3A_379, %get3A_380] : memref<1x8192xf32, #tpu.memory_space<vmem>>, vector<1x128xf32>
    %slice3A_382 = vector.extract_strided_slice %dot_general3A_367 {offsets = [0, 128], sizes = [256, 128], strides = [1, 1]} : vector<256x2048xf32> to vector<256x128xf32>
    %add3A_383 = vector.broadcast %get3A_381 : vector<1x128xf32> to vector<256x128xf32>
    %add3A_384 = arith.addf %slice3A_382, %add3A_383 : vector<256x128xf32>
    %lt3A_385 = arith.cmpf olt, %add3A_384, %select_n3A_375 : vector<256x128xf32>
    %select_n3A_386 = arith.select %lt3A_385, %add3A_384, %select_n3A_375 : vector<256x128xi1>, vector<256x128xf32>
    %jit3A_387 = arith.constant 33 : i32
    %broadcast_in_dim3A_388 = vector.broadcast %jit3A_387 : i32 to vector<256x128xi32>
    %select_n3A_389 = arith.select %lt3A_385, %broadcast_in_dim3A_388, %select_n3A_378 : vector<256x128xi1>, vector<256x128xi32>
    %get3A_390 = arith.constant 0 : index
    %get3A_391 = arith.constant 4352 : index
    %get3A_392 = vector.load %arg5[%get3A_390, %get3A_391] : memref<1x8192xf32, #tpu.memory_space<vmem>>, vector<1x128xf32>
    %slice3A_393 = vector.extract_strided_slice %dot_general3A_367 {offsets = [0, 256], sizes = [256, 128], strides = [1, 1]} : vector<256x2048xf32> to vector<256x128xf32>
    %add3A_394 = vector.broadcast %get3A_392 : vector<1x128xf32> to vector<256x128xf32>
    %add3A_395 = arith.addf %slice3A_393, %add3A_394 : vector<256x128xf32>
    %lt3A_396 = arith.cmpf olt, %add3A_395, %select_n3A_386 : vector<256x128xf32>
    %select_n3A_397 = arith.select %lt3A_396, %add3A_395, %select_n3A_386 : vector<256x128xi1>, vector<256x128xf32>
    %jit3A_398 = arith.constant 34 : i32
    %broadcast_in_dim3A_399 = vector.broadcast %jit3A_398 : i32 to vector<256x128xi32>
    %select_n3A_400 = arith.select %lt3A_396, %broadcast_in_dim3A_399, %select_n3A_389 : vector<256x128xi1>, vector<256x128xi32>
    %get3A_401 = arith.constant 0 : index
    %get3A_402 = arith.constant 4480 : index
    %get3A_403 = vector.load %arg5[%get3A_401, %get3A_402] : memref<1x8192xf32, #tpu.memory_space<vmem>>, vector<1x128xf32>
    %slice3A_404 = vector.extract_strided_slice %dot_general3A_367 {offsets = [0, 384], sizes = [256, 128], strides = [1, 1]} : vector<256x2048xf32> to vector<256x128xf32>
    %add3A_405 = vector.broadcast %get3A_403 : vector<1x128xf32> to vector<256x128xf32>
    %add3A_406 = arith.addf %slice3A_404, %add3A_405 : vector<256x128xf32>
    %lt3A_407 = arith.cmpf olt, %add3A_406, %select_n3A_397 : vector<256x128xf32>
    %select_n3A_408 = arith.select %lt3A_407, %add3A_406, %select_n3A_397 : vector<256x128xi1>, vector<256x128xf32>
    %jit3A_409 = arith.constant 35 : i32
    %broadcast_in_dim3A_410 = vector.broadcast %jit3A_409 : i32 to vector<256x128xi32>
    %select_n3A_411 = arith.select %lt3A_407, %broadcast_in_dim3A_410, %select_n3A_400 : vector<256x128xi1>, vector<256x128xi32>
    %get3A_412 = arith.constant 0 : index
    %get3A_413 = arith.constant 4608 : index
    %get3A_414 = vector.load %arg5[%get3A_412, %get3A_413] : memref<1x8192xf32, #tpu.memory_space<vmem>>, vector<1x128xf32>
    %slice3A_415 = vector.extract_strided_slice %dot_general3A_367 {offsets = [0, 512], sizes = [256, 128], strides = [1, 1]} : vector<256x2048xf32> to vector<256x128xf32>
    %add3A_416 = vector.broadcast %get3A_414 : vector<1x128xf32> to vector<256x128xf32>
    %add3A_417 = arith.addf %slice3A_415, %add3A_416 : vector<256x128xf32>
    %lt3A_418 = arith.cmpf olt, %add3A_417, %select_n3A_408 : vector<256x128xf32>
    %select_n3A_419 = arith.select %lt3A_418, %add3A_417, %select_n3A_408 : vector<256x128xi1>, vector<256x128xf32>
    %jit3A_420 = arith.constant 36 : i32
    %broadcast_in_dim3A_421 = vector.broadcast %jit3A_420 : i32 to vector<256x128xi32>
    %select_n3A_422 = arith.select %lt3A_418, %broadcast_in_dim3A_421, %select_n3A_411 : vector<256x128xi1>, vector<256x128xi32>
    %get3A_423 = arith.constant 0 : index
    %get3A_424 = arith.constant 4736 : index
    %get3A_425 = vector.load %arg5[%get3A_423, %get3A_424] : memref<1x8192xf32, #tpu.memory_space<vmem>>, vector<1x128xf32>
    %slice3A_426 = vector.extract_strided_slice %dot_general3A_367 {offsets = [0, 640], sizes = [256, 128], strides = [1, 1]} : vector<256x2048xf32> to vector<256x128xf32>
    %add3A_427 = vector.broadcast %get3A_425 : vector<1x128xf32> to vector<256x128xf32>
    %add3A_428 = arith.addf %slice3A_426, %add3A_427 : vector<256x128xf32>
    %lt3A_429 = arith.cmpf olt, %add3A_428, %select_n3A_419 : vector<256x128xf32>
    %select_n3A_430 = arith.select %lt3A_429, %add3A_428, %select_n3A_419 : vector<256x128xi1>, vector<256x128xf32>
    %jit3A_431 = arith.constant 37 : i32
    %broadcast_in_dim3A_432 = vector.broadcast %jit3A_431 : i32 to vector<256x128xi32>
    %select_n3A_433 = arith.select %lt3A_429, %broadcast_in_dim3A_432, %select_n3A_422 : vector<256x128xi1>, vector<256x128xi32>
    %get3A_434 = arith.constant 0 : index
    %get3A_435 = arith.constant 4864 : index
    %get3A_436 = vector.load %arg5[%get3A_434, %get3A_435] : memref<1x8192xf32, #tpu.memory_space<vmem>>, vector<1x128xf32>
    %slice3A_437 = vector.extract_strided_slice %dot_general3A_367 {offsets = [0, 768], sizes = [256, 128], strides = [1, 1]} : vector<256x2048xf32> to vector<256x128xf32>
    %add3A_438 = vector.broadcast %get3A_436 : vector<1x128xf32> to vector<256x128xf32>
    %add3A_439 = arith.addf %slice3A_437, %add3A_438 : vector<256x128xf32>
    %lt3A_440 = arith.cmpf olt, %add3A_439, %select_n3A_430 : vector<256x128xf32>
    %select_n3A_441 = arith.select %lt3A_440, %add3A_439, %select_n3A_430 : vector<256x128xi1>, vector<256x128xf32>
    %jit3A_442 = arith.constant 38 : i32
    %broadcast_in_dim3A_443 = vector.broadcast %jit3A_442 : i32 to vector<256x128xi32>
    %select_n3A_444 = arith.select %lt3A_440, %broadcast_in_dim3A_443, %select_n3A_433 : vector<256x128xi1>, vector<256x128xi32>
    %get3A_445 = arith.constant 0 : index
    %get3A_446 = arith.constant 4992 : index
    %get3A_447 = vector.load %arg5[%get3A_445, %get3A_446] : memref<1x8192xf32, #tpu.memory_space<vmem>>, vector<1x128xf32>
    %slice3A_448 = vector.extract_strided_slice %dot_general3A_367 {offsets = [0, 896], sizes = [256, 128], strides = [1, 1]} : vector<256x2048xf32> to vector<256x128xf32>
    %add3A_449 = vector.broadcast %get3A_447 : vector<1x128xf32> to vector<256x128xf32>
    %add3A_450 = arith.addf %slice3A_448, %add3A_449 : vector<256x128xf32>
    %lt3A_451 = arith.cmpf olt, %add3A_450, %select_n3A_441 : vector<256x128xf32>
    %select_n3A_452 = arith.select %lt3A_451, %add3A_450, %select_n3A_441 : vector<256x128xi1>, vector<256x128xf32>
    %jit3A_453 = arith.constant 39 : i32
    %broadcast_in_dim3A_454 = vector.broadcast %jit3A_453 : i32 to vector<256x128xi32>
    %select_n3A_455 = arith.select %lt3A_451, %broadcast_in_dim3A_454, %select_n3A_444 : vector<256x128xi1>, vector<256x128xi32>
    %get3A_456 = arith.constant 0 : index
    %get3A_457 = arith.constant 5120 : index
    %get3A_458 = vector.load %arg5[%get3A_456, %get3A_457] : memref<1x8192xf32, #tpu.memory_space<vmem>>, vector<1x128xf32>
    %slice3A_459 = vector.extract_strided_slice %dot_general3A_367 {offsets = [0, 1024], sizes = [256, 128], strides = [1, 1]} : vector<256x2048xf32> to vector<256x128xf32>
    %add3A_460 = vector.broadcast %get3A_458 : vector<1x128xf32> to vector<256x128xf32>
    %add3A_461 = arith.addf %slice3A_459, %add3A_460 : vector<256x128xf32>
    %lt3A_462 = arith.cmpf olt, %add3A_461, %select_n3A_452 : vector<256x128xf32>
    %select_n3A_463 = arith.select %lt3A_462, %add3A_461, %select_n3A_452 : vector<256x128xi1>, vector<256x128xf32>
    %jit3A_464 = arith.constant 40 : i32
    %broadcast_in_dim3A_465 = vector.broadcast %jit3A_464 : i32 to vector<256x128xi32>
    %select_n3A_466 = arith.select %lt3A_462, %broadcast_in_dim3A_465, %select_n3A_455 : vector<256x128xi1>, vector<256x128xi32>
    %get3A_467 = arith.constant 0 : index
    %get3A_468 = arith.constant 5248 : index
    %get3A_469 = vector.load %arg5[%get3A_467, %get3A_468] : memref<1x8192xf32, #tpu.memory_space<vmem>>, vector<1x128xf32>
    %slice3A_470 = vector.extract_strided_slice %dot_general3A_367 {offsets = [0, 1152], sizes = [256, 128], strides = [1, 1]} : vector<256x2048xf32> to vector<256x128xf32>
    %add3A_471 = vector.broadcast %get3A_469 : vector<1x128xf32> to vector<256x128xf32>
    %add3A_472 = arith.addf %slice3A_470, %add3A_471 : vector<256x128xf32>
    %lt3A_473 = arith.cmpf olt, %add3A_472, %select_n3A_463 : vector<256x128xf32>
    %select_n3A_474 = arith.select %lt3A_473, %add3A_472, %select_n3A_463 : vector<256x128xi1>, vector<256x128xf32>
    %jit3A_475 = arith.constant 41 : i32
    %broadcast_in_dim3A_476 = vector.broadcast %jit3A_475 : i32 to vector<256x128xi32>
    %select_n3A_477 = arith.select %lt3A_473, %broadcast_in_dim3A_476, %select_n3A_466 : vector<256x128xi1>, vector<256x128xi32>
    %get3A_478 = arith.constant 0 : index
    %get3A_479 = arith.constant 5376 : index
    %get3A_480 = vector.load %arg5[%get3A_478, %get3A_479] : memref<1x8192xf32, #tpu.memory_space<vmem>>, vector<1x128xf32>
    %slice3A_481 = vector.extract_strided_slice %dot_general3A_367 {offsets = [0, 1280], sizes = [256, 128], strides = [1, 1]} : vector<256x2048xf32> to vector<256x128xf32>
    %add3A_482 = vector.broadcast %get3A_480 : vector<1x128xf32> to vector<256x128xf32>
    %add3A_483 = arith.addf %slice3A_481, %add3A_482 : vector<256x128xf32>
    %lt3A_484 = arith.cmpf olt, %add3A_483, %select_n3A_474 : vector<256x128xf32>
    %select_n3A_485 = arith.select %lt3A_484, %add3A_483, %select_n3A_474 : vector<256x128xi1>, vector<256x128xf32>
    %jit3A_486 = arith.constant 42 : i32
    %broadcast_in_dim3A_487 = vector.broadcast %jit3A_486 : i32 to vector<256x128xi32>
    %select_n3A_488 = arith.select %lt3A_484, %broadcast_in_dim3A_487, %select_n3A_477 : vector<256x128xi1>, vector<256x128xi32>
    %get3A_489 = arith.constant 0 : index
    %get3A_490 = arith.constant 5504 : index
    %get3A_491 = vector.load %arg5[%get3A_489, %get3A_490] : memref<1x8192xf32, #tpu.memory_space<vmem>>, vector<1x128xf32>
    %slice3A_492 = vector.extract_strided_slice %dot_general3A_367 {offsets = [0, 1408], sizes = [256, 128], strides = [1, 1]} : vector<256x2048xf32> to vector<256x128xf32>
    %add3A_493 = vector.broadcast %get3A_491 : vector<1x128xf32> to vector<256x128xf32>
    %add3A_494 = arith.addf %slice3A_492, %add3A_493 : vector<256x128xf32>
    %lt3A_495 = arith.cmpf olt, %add3A_494, %select_n3A_485 : vector<256x128xf32>
    %select_n3A_496 = arith.select %lt3A_495, %add3A_494, %select_n3A_485 : vector<256x128xi1>, vector<256x128xf32>
    %jit3A_497 = arith.constant 43 : i32
    %broadcast_in_dim3A_498 = vector.broadcast %jit3A_497 : i32 to vector<256x128xi32>
    %select_n3A_499 = arith.select %lt3A_495, %broadcast_in_dim3A_498, %select_n3A_488 : vector<256x128xi1>, vector<256x128xi32>
    %get3A_500 = arith.constant 0 : index
    %get3A_501 = arith.constant 5632 : index
    %get3A_502 = vector.load %arg5[%get3A_500, %get3A_501] : memref<1x8192xf32, #tpu.memory_space<vmem>>, vector<1x128xf32>
    %slice3A_503 = vector.extract_strided_slice %dot_general3A_367 {offsets = [0, 1536], sizes = [256, 128], strides = [1, 1]} : vector<256x2048xf32> to vector<256x128xf32>
    %add3A_504 = vector.broadcast %get3A_502 : vector<1x128xf32> to vector<256x128xf32>
    %add3A_505 = arith.addf %slice3A_503, %add3A_504 : vector<256x128xf32>
    %lt3A_506 = arith.cmpf olt, %add3A_505, %select_n3A_496 : vector<256x128xf32>
    %select_n3A_507 = arith.select %lt3A_506, %add3A_505, %select_n3A_496 : vector<256x128xi1>, vector<256x128xf32>
    %jit3A_508 = arith.constant 44 : i32
    %broadcast_in_dim3A_509 = vector.broadcast %jit3A_508 : i32 to vector<256x128xi32>
    %select_n3A_510 = arith.select %lt3A_506, %broadcast_in_dim3A_509, %select_n3A_499 : vector<256x128xi1>, vector<256x128xi32>
    %get3A_511 = arith.constant 0 : index
    %get3A_512 = arith.constant 5760 : index
    %get3A_513 = vector.load %arg5[%get3A_511, %get3A_512] : memref<1x8192xf32, #tpu.memory_space<vmem>>, vector<1x128xf32>
    %slice3A_514 = vector.extract_strided_slice %dot_general3A_367 {offsets = [0, 1664], sizes = [256, 128], strides = [1, 1]} : vector<256x2048xf32> to vector<256x128xf32>
    %add3A_515 = vector.broadcast %get3A_513 : vector<1x128xf32> to vector<256x128xf32>
    %add3A_516 = arith.addf %slice3A_514, %add3A_515 : vector<256x128xf32>
    %lt3A_517 = arith.cmpf olt, %add3A_516, %select_n3A_507 : vector<256x128xf32>
    %select_n3A_518 = arith.select %lt3A_517, %add3A_516, %select_n3A_507 : vector<256x128xi1>, vector<256x128xf32>
    %jit3A_519 = arith.constant 45 : i32
    %broadcast_in_dim3A_520 = vector.broadcast %jit3A_519 : i32 to vector<256x128xi32>
    %select_n3A_521 = arith.select %lt3A_517, %broadcast_in_dim3A_520, %select_n3A_510 : vector<256x128xi1>, vector<256x128xi32>
    %get3A_522 = arith.constant 0 : index
    %get3A_523 = arith.constant 5888 : index
    %get3A_524 = vector.load %arg5[%get3A_522, %get3A_523] : memref<1x8192xf32, #tpu.memory_space<vmem>>, vector<1x128xf32>
    %slice3A_525 = vector.extract_strided_slice %dot_general3A_367 {offsets = [0, 1792], sizes = [256, 128], strides = [1, 1]} : vector<256x2048xf32> to vector<256x128xf32>
    %add3A_526 = vector.broadcast %get3A_524 : vector<1x128xf32> to vector<256x128xf32>
    %add3A_527 = arith.addf %slice3A_525, %add3A_526 : vector<256x128xf32>
    %lt3A_528 = arith.cmpf olt, %add3A_527, %select_n3A_518 : vector<256x128xf32>
    %select_n3A_529 = arith.select %lt3A_528, %add3A_527, %select_n3A_518 : vector<256x128xi1>, vector<256x128xf32>
    %jit3A_530 = arith.constant 46 : i32
    %broadcast_in_dim3A_531 = vector.broadcast %jit3A_530 : i32 to vector<256x128xi32>
    %select_n3A_532 = arith.select %lt3A_528, %broadcast_in_dim3A_531, %select_n3A_521 : vector<256x128xi1>, vector<256x128xi32>
    %get3A_533 = arith.constant 0 : index
    %get3A_534 = arith.constant 6016 : index
    %get3A_535 = vector.load %arg5[%get3A_533, %get3A_534] : memref<1x8192xf32, #tpu.memory_space<vmem>>, vector<1x128xf32>
    %slice3A_536 = vector.extract_strided_slice %dot_general3A_367 {offsets = [0, 1920], sizes = [256, 128], strides = [1, 1]} : vector<256x2048xf32> to vector<256x128xf32>
    %add3A_537 = vector.broadcast %get3A_535 : vector<1x128xf32> to vector<256x128xf32>
    %add3A_538 = arith.addf %slice3A_536, %add3A_537 : vector<256x128xf32>
    %lt3A_539 = arith.cmpf olt, %add3A_538, %select_n3A_529 : vector<256x128xf32>
    %select_n3A_540 = arith.select %lt3A_539, %add3A_538, %select_n3A_529 : vector<256x128xi1>, vector<256x128xf32>
    %jit3A_541 = arith.constant 47 : i32
    %broadcast_in_dim3A_542 = vector.broadcast %jit3A_541 : i32 to vector<256x128xi32>
    %select_n3A_543 = arith.select %lt3A_539, %broadcast_in_dim3A_542, %select_n3A_532 : vector<256x128xi1>, vector<256x128xi32>
    %get3A_544 = arith.constant 0 : index
    %get3A_545 = arith.constant 6144 : index
    %get3A_546 = vector.load %arg4[%get3A_544, %get3A_545] : memref<64x8192xf32, #tpu.memory_space<vmem>>, vector<64x2048xf32>
    %dot_general3A_547 = arith.constant dense<0.000000e+00> : vector<256x2048xf32>
    %dot_general3A_548 = tpu.matmul %get3A_3, %get3A_546, %dot_general3A_547 {dimension_numbers = #tpu.dot_dimension_numbers<[1], [0], [0], [1], [0, 0, 1, 1], [], []>, transpose_lhs_hint = false} : vector<256x64xf32>, vector<64x2048xf32>, vector<256x2048xf32> -> vector<256x2048xf32>
    %get3A_549 = arith.constant 0 : index
    %get3A_550 = arith.constant 6144 : index
    %get3A_551 = vector.load %arg5[%get3A_549, %get3A_550] : memref<1x8192xf32, #tpu.memory_space<vmem>>, vector<1x128xf32>
    %slice3A_552 = vector.extract_strided_slice %dot_general3A_548 {offsets = [0, 0], sizes = [256, 128], strides = [1, 1]} : vector<256x2048xf32> to vector<256x128xf32>
    %add3A_553 = vector.broadcast %get3A_551 : vector<1x128xf32> to vector<256x128xf32>
    %add3A_554 = arith.addf %slice3A_552, %add3A_553 : vector<256x128xf32>
    %lt3A_555 = arith.cmpf olt, %add3A_554, %select_n3A_540 : vector<256x128xf32>
    %select_n3A_556 = arith.select %lt3A_555, %add3A_554, %select_n3A_540 : vector<256x128xi1>, vector<256x128xf32>
    %jit3A_557 = arith.constant 48 : i32
    %broadcast_in_dim3A_558 = vector.broadcast %jit3A_557 : i32 to vector<256x128xi32>
    %select_n3A_559 = arith.select %lt3A_555, %broadcast_in_dim3A_558, %select_n3A_543 : vector<256x128xi1>, vector<256x128xi32>
    %get3A_560 = arith.constant 0 : index
    %get3A_561 = arith.constant 6272 : index
    %get3A_562 = vector.load %arg5[%get3A_560, %get3A_561] : memref<1x8192xf32, #tpu.memory_space<vmem>>, vector<1x128xf32>
    %slice3A_563 = vector.extract_strided_slice %dot_general3A_548 {offsets = [0, 128], sizes = [256, 128], strides = [1, 1]} : vector<256x2048xf32> to vector<256x128xf32>
    %add3A_564 = vector.broadcast %get3A_562 : vector<1x128xf32> to vector<256x128xf32>
    %add3A_565 = arith.addf %slice3A_563, %add3A_564 : vector<256x128xf32>
    %lt3A_566 = arith.cmpf olt, %add3A_565, %select_n3A_556 : vector<256x128xf32>
    %select_n3A_567 = arith.select %lt3A_566, %add3A_565, %select_n3A_556 : vector<256x128xi1>, vector<256x128xf32>
    %jit3A_568 = arith.constant 49 : i32
    %broadcast_in_dim3A_569 = vector.broadcast %jit3A_568 : i32 to vector<256x128xi32>
    %select_n3A_570 = arith.select %lt3A_566, %broadcast_in_dim3A_569, %select_n3A_559 : vector<256x128xi1>, vector<256x128xi32>
    %get3A_571 = arith.constant 0 : index
    %get3A_572 = arith.constant 6400 : index
    %get3A_573 = vector.load %arg5[%get3A_571, %get3A_572] : memref<1x8192xf32, #tpu.memory_space<vmem>>, vector<1x128xf32>
    %slice3A_574 = vector.extract_strided_slice %dot_general3A_548 {offsets = [0, 256], sizes = [256, 128], strides = [1, 1]} : vector<256x2048xf32> to vector<256x128xf32>
    %add3A_575 = vector.broadcast %get3A_573 : vector<1x128xf32> to vector<256x128xf32>
    %add3A_576 = arith.addf %slice3A_574, %add3A_575 : vector<256x128xf32>
    %lt3A_577 = arith.cmpf olt, %add3A_576, %select_n3A_567 : vector<256x128xf32>
    %select_n3A_578 = arith.select %lt3A_577, %add3A_576, %select_n3A_567 : vector<256x128xi1>, vector<256x128xf32>
    %jit3A_579 = arith.constant 50 : i32
    %broadcast_in_dim3A_580 = vector.broadcast %jit3A_579 : i32 to vector<256x128xi32>
    %select_n3A_581 = arith.select %lt3A_577, %broadcast_in_dim3A_580, %select_n3A_570 : vector<256x128xi1>, vector<256x128xi32>
    %get3A_582 = arith.constant 0 : index
    %get3A_583 = arith.constant 6528 : index
    %get3A_584 = vector.load %arg5[%get3A_582, %get3A_583] : memref<1x8192xf32, #tpu.memory_space<vmem>>, vector<1x128xf32>
    %slice3A_585 = vector.extract_strided_slice %dot_general3A_548 {offsets = [0, 384], sizes = [256, 128], strides = [1, 1]} : vector<256x2048xf32> to vector<256x128xf32>
    %add3A_586 = vector.broadcast %get3A_584 : vector<1x128xf32> to vector<256x128xf32>
    %add3A_587 = arith.addf %slice3A_585, %add3A_586 : vector<256x128xf32>
    %lt3A_588 = arith.cmpf olt, %add3A_587, %select_n3A_578 : vector<256x128xf32>
    %select_n3A_589 = arith.select %lt3A_588, %add3A_587, %select_n3A_578 : vector<256x128xi1>, vector<256x128xf32>
    %jit3A_590 = arith.constant 51 : i32
    %broadcast_in_dim3A_591 = vector.broadcast %jit3A_590 : i32 to vector<256x128xi32>
    %select_n3A_592 = arith.select %lt3A_588, %broadcast_in_dim3A_591, %select_n3A_581 : vector<256x128xi1>, vector<256x128xi32>
    %get3A_593 = arith.constant 0 : index
    %get3A_594 = arith.constant 6656 : index
    %get3A_595 = vector.load %arg5[%get3A_593, %get3A_594] : memref<1x8192xf32, #tpu.memory_space<vmem>>, vector<1x128xf32>
    %slice3A_596 = vector.extract_strided_slice %dot_general3A_548 {offsets = [0, 512], sizes = [256, 128], strides = [1, 1]} : vector<256x2048xf32> to vector<256x128xf32>
    %add3A_597 = vector.broadcast %get3A_595 : vector<1x128xf32> to vector<256x128xf32>
    %add3A_598 = arith.addf %slice3A_596, %add3A_597 : vector<256x128xf32>
    %lt3A_599 = arith.cmpf olt, %add3A_598, %select_n3A_589 : vector<256x128xf32>
    %select_n3A_600 = arith.select %lt3A_599, %add3A_598, %select_n3A_589 : vector<256x128xi1>, vector<256x128xf32>
    %jit3A_601 = arith.constant 52 : i32
    %broadcast_in_dim3A_602 = vector.broadcast %jit3A_601 : i32 to vector<256x128xi32>
    %select_n3A_603 = arith.select %lt3A_599, %broadcast_in_dim3A_602, %select_n3A_592 : vector<256x128xi1>, vector<256x128xi32>
    %get3A_604 = arith.constant 0 : index
    %get3A_605 = arith.constant 6784 : index
    %get3A_606 = vector.load %arg5[%get3A_604, %get3A_605] : memref<1x8192xf32, #tpu.memory_space<vmem>>, vector<1x128xf32>
    %slice3A_607 = vector.extract_strided_slice %dot_general3A_548 {offsets = [0, 640], sizes = [256, 128], strides = [1, 1]} : vector<256x2048xf32> to vector<256x128xf32>
    %add3A_608 = vector.broadcast %get3A_606 : vector<1x128xf32> to vector<256x128xf32>
    %add3A_609 = arith.addf %slice3A_607, %add3A_608 : vector<256x128xf32>
    %lt3A_610 = arith.cmpf olt, %add3A_609, %select_n3A_600 : vector<256x128xf32>
    %select_n3A_611 = arith.select %lt3A_610, %add3A_609, %select_n3A_600 : vector<256x128xi1>, vector<256x128xf32>
    %jit3A_612 = arith.constant 53 : i32
    %broadcast_in_dim3A_613 = vector.broadcast %jit3A_612 : i32 to vector<256x128xi32>
    %select_n3A_614 = arith.select %lt3A_610, %broadcast_in_dim3A_613, %select_n3A_603 : vector<256x128xi1>, vector<256x128xi32>
    %get3A_615 = arith.constant 0 : index
    %get3A_616 = arith.constant 6912 : index
    %get3A_617 = vector.load %arg5[%get3A_615, %get3A_616] : memref<1x8192xf32, #tpu.memory_space<vmem>>, vector<1x128xf32>
    %slice3A_618 = vector.extract_strided_slice %dot_general3A_548 {offsets = [0, 768], sizes = [256, 128], strides = [1, 1]} : vector<256x2048xf32> to vector<256x128xf32>
    %add3A_619 = vector.broadcast %get3A_617 : vector<1x128xf32> to vector<256x128xf32>
    %add3A_620 = arith.addf %slice3A_618, %add3A_619 : vector<256x128xf32>
    %lt3A_621 = arith.cmpf olt, %add3A_620, %select_n3A_611 : vector<256x128xf32>
    %select_n3A_622 = arith.select %lt3A_621, %add3A_620, %select_n3A_611 : vector<256x128xi1>, vector<256x128xf32>
    %jit3A_623 = arith.constant 54 : i32
    %broadcast_in_dim3A_624 = vector.broadcast %jit3A_623 : i32 to vector<256x128xi32>
    %select_n3A_625 = arith.select %lt3A_621, %broadcast_in_dim3A_624, %select_n3A_614 : vector<256x128xi1>, vector<256x128xi32>
    %get3A_626 = arith.constant 0 : index
    %get3A_627 = arith.constant 7040 : index
    %get3A_628 = vector.load %arg5[%get3A_626, %get3A_627] : memref<1x8192xf32, #tpu.memory_space<vmem>>, vector<1x128xf32>
    %slice3A_629 = vector.extract_strided_slice %dot_general3A_548 {offsets = [0, 896], sizes = [256, 128], strides = [1, 1]} : vector<256x2048xf32> to vector<256x128xf32>
    %add3A_630 = vector.broadcast %get3A_628 : vector<1x128xf32> to vector<256x128xf32>
    %add3A_631 = arith.addf %slice3A_629, %add3A_630 : vector<256x128xf32>
    %lt3A_632 = arith.cmpf olt, %add3A_631, %select_n3A_622 : vector<256x128xf32>
    %select_n3A_633 = arith.select %lt3A_632, %add3A_631, %select_n3A_622 : vector<256x128xi1>, vector<256x128xf32>
    %jit3A_634 = arith.constant 55 : i32
    %broadcast_in_dim3A_635 = vector.broadcast %jit3A_634 : i32 to vector<256x128xi32>
    %select_n3A_636 = arith.select %lt3A_632, %broadcast_in_dim3A_635, %select_n3A_625 : vector<256x128xi1>, vector<256x128xi32>
    %get3A_637 = arith.constant 0 : index
    %get3A_638 = arith.constant 7168 : index
    %get3A_639 = vector.load %arg5[%get3A_637, %get3A_638] : memref<1x8192xf32, #tpu.memory_space<vmem>>, vector<1x128xf32>
    %slice3A_640 = vector.extract_strided_slice %dot_general3A_548 {offsets = [0, 1024], sizes = [256, 128], strides = [1, 1]} : vector<256x2048xf32> to vector<256x128xf32>
    %add3A_641 = vector.broadcast %get3A_639 : vector<1x128xf32> to vector<256x128xf32>
    %add3A_642 = arith.addf %slice3A_640, %add3A_641 : vector<256x128xf32>
    %lt3A_643 = arith.cmpf olt, %add3A_642, %select_n3A_633 : vector<256x128xf32>
    %select_n3A_644 = arith.select %lt3A_643, %add3A_642, %select_n3A_633 : vector<256x128xi1>, vector<256x128xf32>
    %jit3A_645 = arith.constant 56 : i32
    %broadcast_in_dim3A_646 = vector.broadcast %jit3A_645 : i32 to vector<256x128xi32>
    %select_n3A_647 = arith.select %lt3A_643, %broadcast_in_dim3A_646, %select_n3A_636 : vector<256x128xi1>, vector<256x128xi32>
    %get3A_648 = arith.constant 0 : index
    %get3A_649 = arith.constant 7296 : index
    %get3A_650 = vector.load %arg5[%get3A_648, %get3A_649] : memref<1x8192xf32, #tpu.memory_space<vmem>>, vector<1x128xf32>
    %slice3A_651 = vector.extract_strided_slice %dot_general3A_548 {offsets = [0, 1152], sizes = [256, 128], strides = [1, 1]} : vector<256x2048xf32> to vector<256x128xf32>
    %add3A_652 = vector.broadcast %get3A_650 : vector<1x128xf32> to vector<256x128xf32>
    %add3A_653 = arith.addf %slice3A_651, %add3A_652 : vector<256x128xf32>
    %lt3A_654 = arith.cmpf olt, %add3A_653, %select_n3A_644 : vector<256x128xf32>
    %select_n3A_655 = arith.select %lt3A_654, %add3A_653, %select_n3A_644 : vector<256x128xi1>, vector<256x128xf32>
    %jit3A_656 = arith.constant 57 : i32
    %broadcast_in_dim3A_657 = vector.broadcast %jit3A_656 : i32 to vector<256x128xi32>
    %select_n3A_658 = arith.select %lt3A_654, %broadcast_in_dim3A_657, %select_n3A_647 : vector<256x128xi1>, vector<256x128xi32>
    %get3A_659 = arith.constant 0 : index
    %get3A_660 = arith.constant 7424 : index
    %get3A_661 = vector.load %arg5[%get3A_659, %get3A_660] : memref<1x8192xf32, #tpu.memory_space<vmem>>, vector<1x128xf32>
    %slice3A_662 = vector.extract_strided_slice %dot_general3A_548 {offsets = [0, 1280], sizes = [256, 128], strides = [1, 1]} : vector<256x2048xf32> to vector<256x128xf32>
    %add3A_663 = vector.broadcast %get3A_661 : vector<1x128xf32> to vector<256x128xf32>
    %add3A_664 = arith.addf %slice3A_662, %add3A_663 : vector<256x128xf32>
    %lt3A_665 = arith.cmpf olt, %add3A_664, %select_n3A_655 : vector<256x128xf32>
    %select_n3A_666 = arith.select %lt3A_665, %add3A_664, %select_n3A_655 : vector<256x128xi1>, vector<256x128xf32>
    %jit3A_667 = arith.constant 58 : i32
    %broadcast_in_dim3A_668 = vector.broadcast %jit3A_667 : i32 to vector<256x128xi32>
    %select_n3A_669 = arith.select %lt3A_665, %broadcast_in_dim3A_668, %select_n3A_658 : vector<256x128xi1>, vector<256x128xi32>
    %get3A_670 = arith.constant 0 : index
    %get3A_671 = arith.constant 7552 : index
    %get3A_672 = vector.load %arg5[%get3A_670, %get3A_671] : memref<1x8192xf32, #tpu.memory_space<vmem>>, vector<1x128xf32>
    %slice3A_673 = vector.extract_strided_slice %dot_general3A_548 {offsets = [0, 1408], sizes = [256, 128], strides = [1, 1]} : vector<256x2048xf32> to vector<256x128xf32>
    %add3A_674 = vector.broadcast %get3A_672 : vector<1x128xf32> to vector<256x128xf32>
    %add3A_675 = arith.addf %slice3A_673, %add3A_674 : vector<256x128xf32>
    %lt3A_676 = arith.cmpf olt, %add3A_675, %select_n3A_666 : vector<256x128xf32>
    %select_n3A_677 = arith.select %lt3A_676, %add3A_675, %select_n3A_666 : vector<256x128xi1>, vector<256x128xf32>
    %jit3A_678 = arith.constant 59 : i32
    %broadcast_in_dim3A_679 = vector.broadcast %jit3A_678 : i32 to vector<256x128xi32>
    %select_n3A_680 = arith.select %lt3A_676, %broadcast_in_dim3A_679, %select_n3A_669 : vector<256x128xi1>, vector<256x128xi32>
    %get3A_681 = arith.constant 0 : index
    %get3A_682 = arith.constant 7680 : index
    %get3A_683 = vector.load %arg5[%get3A_681, %get3A_682] : memref<1x8192xf32, #tpu.memory_space<vmem>>, vector<1x128xf32>
    %slice3A_684 = vector.extract_strided_slice %dot_general3A_548 {offsets = [0, 1536], sizes = [256, 128], strides = [1, 1]} : vector<256x2048xf32> to vector<256x128xf32>
    %add3A_685 = vector.broadcast %get3A_683 : vector<1x128xf32> to vector<256x128xf32>
    %add3A_686 = arith.addf %slice3A_684, %add3A_685 : vector<256x128xf32>
    %lt3A_687 = arith.cmpf olt, %add3A_686, %select_n3A_677 : vector<256x128xf32>
    %select_n3A_688 = arith.select %lt3A_687, %add3A_686, %select_n3A_677 : vector<256x128xi1>, vector<256x128xf32>
    %jit3A_689 = arith.constant 60 : i32
    %broadcast_in_dim3A_690 = vector.broadcast %jit3A_689 : i32 to vector<256x128xi32>
    %select_n3A_691 = arith.select %lt3A_687, %broadcast_in_dim3A_690, %select_n3A_680 : vector<256x128xi1>, vector<256x128xi32>
    %get3A_692 = arith.constant 0 : index
    %get3A_693 = arith.constant 7808 : index
    %get3A_694 = vector.load %arg5[%get3A_692, %get3A_693] : memref<1x8192xf32, #tpu.memory_space<vmem>>, vector<1x128xf32>
    %slice3A_695 = vector.extract_strided_slice %dot_general3A_548 {offsets = [0, 1664], sizes = [256, 128], strides = [1, 1]} : vector<256x2048xf32> to vector<256x128xf32>
    %add3A_696 = vector.broadcast %get3A_694 : vector<1x128xf32> to vector<256x128xf32>
    %add3A_697 = arith.addf %slice3A_695, %add3A_696 : vector<256x128xf32>
    %lt3A_698 = arith.cmpf olt, %add3A_697, %select_n3A_688 : vector<256x128xf32>
    %select_n3A_699 = arith.select %lt3A_698, %add3A_697, %select_n3A_688 : vector<256x128xi1>, vector<256x128xf32>
    %jit3A_700 = arith.constant 61 : i32
    %broadcast_in_dim3A_701 = vector.broadcast %jit3A_700 : i32 to vector<256x128xi32>
    %select_n3A_702 = arith.select %lt3A_698, %broadcast_in_dim3A_701, %select_n3A_691 : vector<256x128xi1>, vector<256x128xi32>
    %get3A_703 = arith.constant 0 : index
    %get3A_704 = arith.constant 7936 : index
    %get3A_705 = vector.load %arg5[%get3A_703, %get3A_704] : memref<1x8192xf32, #tpu.memory_space<vmem>>, vector<1x128xf32>
    %slice3A_706 = vector.extract_strided_slice %dot_general3A_548 {offsets = [0, 1792], sizes = [256, 128], strides = [1, 1]} : vector<256x2048xf32> to vector<256x128xf32>
    %add3A_707 = vector.broadcast %get3A_705 : vector<1x128xf32> to vector<256x128xf32>
    %add3A_708 = arith.addf %slice3A_706, %add3A_707 : vector<256x128xf32>
    %lt3A_709 = arith.cmpf olt, %add3A_708, %select_n3A_699 : vector<256x128xf32>
    %select_n3A_710 = arith.select %lt3A_709, %add3A_708, %select_n3A_699 : vector<256x128xi1>, vector<256x128xf32>
    %jit3A_711 = arith.constant 62 : i32
    %broadcast_in_dim3A_712 = vector.broadcast %jit3A_711 : i32 to vector<256x128xi32>
    %select_n3A_713 = arith.select %lt3A_709, %broadcast_in_dim3A_712, %select_n3A_702 : vector<256x128xi1>, vector<256x128xi32>
    %get3A_714 = arith.constant 0 : index
    %get3A_715 = arith.constant 8064 : index
    %get3A_716 = vector.load %arg5[%get3A_714, %get3A_715] : memref<1x8192xf32, #tpu.memory_space<vmem>>, vector<1x128xf32>
    %slice3A_717 = vector.extract_strided_slice %dot_general3A_548 {offsets = [0, 1920], sizes = [256, 128], strides = [1, 1]} : vector<256x2048xf32> to vector<256x128xf32>
    %add3A_718 = vector.broadcast %get3A_716 : vector<1x128xf32> to vector<256x128xf32>
    %add3A_719 = arith.addf %slice3A_717, %add3A_718 : vector<256x128xf32>
    %lt3A_720 = arith.cmpf olt, %add3A_719, %select_n3A_710 : vector<256x128xf32>
    %select_n3A_721 = arith.select %lt3A_720, %add3A_719, %select_n3A_710 : vector<256x128xi1>, vector<256x128xf32>
    %jit3A_722 = arith.constant 63 : i32
    %broadcast_in_dim3A_723 = vector.broadcast %jit3A_722 : i32 to vector<256x128xi32>
    %select_n3A_724 = arith.select %lt3A_720, %broadcast_in_dim3A_723, %select_n3A_713 : vector<256x128xi1>, vector<256x128xi32>
    %mul3A = arith.constant 128 : i32
    %mul3A_725 = vector.broadcast %mul3A : i32 to vector<256x128xi32>
    %mul3A_726 = arith.muli %select_n3A_724, %mul3A_725 : vector<256x128xi32>
    %add3A_727 = arith.addi %mul3A_726, %iota3A : vector<256x128xi32>
    %reduce_min3A = arith.constant dense<0x7F800000> : vector<256xf32>
    %reduce_min3A_728 = vector.multi_reduction <minimumf>, %select_n3A_721, %reduce_min3A [1] : vector<256x128xf32> to vector<256xf32>
    %broadcast_in_dim3A_729 = vector.shape_cast %reduce_min3A_728 : vector<256xf32> to vector<256x1xf32>
    %eq3A_730 = vector.broadcast %broadcast_in_dim3A_729 : vector<256x1xf32> to vector<256x128xf32>
    %eq3A_731 = arith.cmpf oeq, %select_n3A_721, %eq3A_730 : vector<256x128xf32>
    %jit3A_732 = arith.constant 1073741824 : i32
    %broadcast_in_dim3A_733 = vector.broadcast %jit3A_732 : i32 to vector<256x128xi32>
    %select_n3A_734 = arith.select %eq3A_731, %add3A_727, %broadcast_in_dim3A_733 : vector<256x128xi1>, vector<256x128xi32>
    %reduce_min3A_735 = arith.constant dense<2147483647> : vector<256xi32>
    %reduce_min3A_736 = vector.multi_reduction <minsi>, %select_n3A_734, %reduce_min3A_735 [1] : vector<256x128xi32> to vector<256xi32>
    %broadcast_in_dim3A_737 = vector.shape_cast %reduce_min3A_736 : vector<256xi32> to vector<256x1xi32>
    %reshape3A = vector.shape_cast %broadcast_in_dim3A_737 : vector<256x1xi32> to vector<256xi32>
    %swap3A = arith.constant 0 : index
    %swap3A_738 = vector.load %arg3[%swap3A] : memref<256xi32, #tpu.memory_space<vmem>>, vector<256xi32>
    tpu.vector_store %arg3[%swap3A], %reshape3A {strides = array<i32>} : memref<256xi32, #tpu.memory_space<vmem>>, vector<256xi32>,
    return
  }
  func.func @transform_0(%arg0: i32) -> (i32, i32) {
    %c0_i32 = arith.constant 0 : i32
    %c0_i32_0 = arith.constant 0 : i32
    return %arg0, %c0_i32 : i32, i32
  }
  func.func @transform_1(%arg0: i32) -> (i32, i32) {
    %c0_i32 = arith.constant 0 : i32
    %c0_i32_0 = arith.constant 0 : i32
    %c0_i32_1 = arith.constant 0 : i32
    return %c0_i32, %c0_i32_0 : i32, i32
  }
  func.func @transform_2(%arg0: i32) -> i32 {
    %c0_i32 = arith.constant 0 : i32
    return %arg0 : i32
  }
}

module attributes {stable_mosaic.version = 14 : i64} {
  func.func @_fin_body(%arg0: memref<9216x64xf32, #tpu.memory_space<vmem>>, %arg1: memref<9216x64xf32, #tpu.memory_space<vmem>>, %arg2: memref<2x8192xf32, #tpu.memory_space<vmem>>, %arg3: memref<9216x64xf32, #tpu.memory_space<vmem>>, %arg4: memref<1x1xf32, #tpu.memory_space<smem>>, %arg5: memref<1x1xf32, #tpu.memory_space<smem>>) attributes {dimension_semantics = [], scalar_prefetch = 0 : i64, scratch_operands = 0 : i64, tpu.core_type = #tpu.core_type<tc>} {
    %get3A = arith.constant 0 : index
    %get3A_0 = arith.constant 0 : index
    %get3A_1 = vector.load %arg0[%get3A, %get3A_0] : memref<9216x64xf32, #tpu.memory_space<vmem>>, vector<9216x64xf32>
    %get3A_2 = arith.constant 0 : index
    %get3A_3 = arith.constant 0 : index
    %get3A_4 = vector.load %arg1[%get3A_2, %get3A_3] : memref<9216x64xf32, #tpu.memory_space<vmem>>, vector<9216x64xf32>
    %sub3A = arith.subf %get3A_4, %get3A_1 : vector<9216x64xf32>
    %add3A = arith.addf %get3A_1, %sub3A : vector<9216x64xf32>
    %swap3A = arith.constant 0 : index
    %swap3A_5 = arith.constant 0 : index
    %swap3A_6 = vector.load %arg3[%swap3A, %swap3A_5] : memref<9216x64xf32, #tpu.memory_space<vmem>>, vector<9216x64xf32>
    tpu.vector_store %arg3[%swap3A, %swap3A_5], %add3A {strides = array<i32>} : memref<9216x64xf32, #tpu.memory_space<vmem>>, vector<9216x64xf32>,
    %mul3A = arith.mulf %sub3A, %sub3A : vector<9216x64xf32>
    %reduce_sum3A = vector.shape_cast %mul3A : vector<9216x64xf32> to vector<1x9216x64xf32>
    %reduce_sum3A_7 = arith.constant dense<0.000000e+00> : vector<1xf32>
    %reduce_sum3A_8 = vector.multi_reduction <add>, %reduce_sum3A, %reduce_sum3A_7 [1, 2] : vector<1x9216x64xf32> to vector<1xf32>
    %reduce_sum3A_9 = vector.shape_cast %reduce_sum3A_8 : vector<1xf32> to vector<1x1x1xf32>
    %reduce_sum3A_10 = vector.extract %reduce_sum3A_9[0, 0, 0] : f32 from vector<1x1x1xf32>
    %div3A = arith.constant 5.898240e+05 : f32
    %div3A_11 = arith.divf %reduce_sum3A_10, %div3A : f32
    %mul3A_12 = arith.constant 2.500000e-01 : f32
    %mul3A_13 = arith.mulf %div3A_11, %mul3A_12 : f32
    %swap3A_14 = arith.constant 0 : index
    %swap3A_15 = arith.constant 0 : index
    %swap3A_16 = memref.load %arg4[%swap3A_14, %swap3A_15] : memref<1x1xf32, #tpu.memory_space<smem>>
    memref.store %mul3A_13, %arg4[%swap3A_14, %swap3A_15] : memref<1x1xf32, #tpu.memory_space<smem>>
    %get3A_17 = arith.constant 0 : index
    %get3A_18 = arith.constant 0 : index
    %get3A_19 = vector.load %arg2[%get3A_17, %get3A_18] : memref<2x8192xf32, #tpu.memory_space<vmem>>, vector<1x8192xf32>
    %get3A_20 = vector.shape_cast %get3A_19 : vector<1x8192xf32> to vector<8192xf32>
    %get3A_21 = arith.constant 1 : index
    %get3A_22 = arith.constant 0 : index
    %get3A_23 = vector.load %arg2[%get3A_21, %get3A_22] : memref<2x8192xf32, #tpu.memory_space<vmem>>, vector<1x8192xf32>
    %get3A_24 = vector.shape_cast %get3A_23 : vector<1x8192xf32> to vector<8192xf32>
    %add3A_25 = arith.addf %get3A_20, %get3A_24 : vector<8192xf32>
    %div3A_26 = arith.constant 9.216000e+03 : f32
    %div3A_27 = vector.broadcast %div3A_26 : f32 to vector<8192xf32>
    %div3A_28 = arith.divf %add3A_25, %div3A_27 : vector<8192xf32>
    %add3A_29 = arith.constant 9.99999996E-13 : f32
    %add3A_30 = vector.broadcast %add3A_29 : f32 to vector<8192xf32>
    %add3A_31 = arith.addf %div3A_28, %add3A_30 : vector<8192xf32>
    %log3A = math.log %add3A_31 : vector<8192xf32>
    %mul3A_32 = arith.mulf %div3A_28, %log3A : vector<8192xf32>
    %reduce_sum3A_33 = vector.shape_cast %mul3A_32 : vector<8192xf32> to vector<1x8192xf32>
    %reduce_sum3A_34 = arith.constant dense<0.000000e+00> : vector<1xf32>
    %reduce_sum3A_35 = vector.multi_reduction <add>, %reduce_sum3A_33, %reduce_sum3A_34 [1] : vector<1x8192xf32> to vector<1xf32>
    %reduce_sum3A_36 = vector.shape_cast %reduce_sum3A_35 : vector<1xf32> to vector<1x1xf32>
    %reduce_sum3A_37 = vector.extract %reduce_sum3A_36[0, 0] : f32 from vector<1x1xf32>
    %neg3A = arith.constant 0.000000e+00 : f32
    %neg3A_38 = arith.subf %neg3A, %reduce_sum3A_37 : f32
    %exp3A = math.exp %neg3A_38 : f32
    %swap3A_39 = arith.constant 0 : index
    %swap3A_40 = arith.constant 0 : index
    %swap3A_41 = memref.load %arg5[%swap3A_39, %swap3A_40] : memref<1x1xf32, #tpu.memory_space<smem>>
    memref.store %exp3A, %arg5[%swap3A_39, %swap3A_40] : memref<1x1xf32, #tpu.memory_space<smem>>
    return
  }
}

</mosaic_0001>

<sc_bundles>
// kernel: kernel.5.cloned.1.call-start
scs
__scs_entry_jumppad:
0x0: {  	(pc) =	sbr.rel $0x88, $3  }
0x1: {  	(tag) =	ssettag $0x0;
	lr =	simm.s32 $0x1  }
0x2: {  	[smem:$0x3F9F] =	sst lr;
	_ =	strace $0xD0000000  }
0x3: {  	_ = 	snop  }
0x4: {  	_ = 	snop  }
0x5: {  	_ = 	snop  }
0x6: {  	_ = 	snop  }
0x7: {  	_ = 	snop  }
__scs_overlays_trampoline_lowered:
0x8: {  	[smem:$0x3FAE] =	sst s0  }
0x9: {  	[smem:$0x3FAF] =	sst s1  }
0xa: {  	[smem:$0x3FB0] =	sst s2  }
0xb: {  	[smem:$0x3FB1] =	sst s3  }
0xc: {  	[smem:$0x3FB2] =	sst s4  }
0xd: {  	[smem:$0x3FB3] =	sst s5  }
0xe: {  	[smem:$0x3FB4] =	sst s6  }
0xf: {  	[smem:$0x3FB5] =	sst s7  }
0x10: {  	[smem:$0x3FB6] =	sst s8  }
0x11: {  	[smem:$0x3FB7] =	sst s9;
	s0 =	simm.s32 @!p0 $0x0  }
0x12: {  	s1 =	sld [smem:$0x3F9D];
	s0 =	simm.s32 @p0 $0x1  }
0x13: {  	[smem:$0x3FB8] =	sst s0;
	s0 =	simm.s32 @!p1 $0x0  }
0x14: {  	s2 =	sld [smem:$0x3F9C];
	s0 =	simm.s32 @p1 $0x1  }
0x15: {  	[smem:$0x3FB9] =	sst s0;
	s0 =	simm.s32 @!p2 $0x0  }
0x16: {  	s3 =	sld [smem:$0x3FDB];
	s0 =	simm.s32 @p2 $0x1  }
0x17: {  	s4 =	simm.s32 $0x1BF5;
	[smem:$0x3FBB] =	sst s0  }
0x18: {  	s0 =	sld [smem:$0x3F9E];
	_ =	swait.ge [sflag:s4], $0x0  }
0x19: {  	s7 =	sld [smem:$0x3F9F]  }
0x1a: {  	s8 =	sadd.s32 $0xFFFFE003, lr  }
0x1b: {  	s9 =	sadd.s32 $0xFFFFFEF7, lr;
	s5 =	simm.s32 $0xFFFFFFFF;
	p2 =	slt.u32 s8, $0xFFFFF086  }
0x1c: {  	p1 =	slt.u32 s9, $0xF7A;
	s5 =	simm.s32 @!p2 $0x0  }
0x1d: {  	s5 =	simm.s32 @p1 $0x1;
	p0 =	seq.s32 s7, s2  }
0x1e: {  	s7 =	smul.u32 @!p0 $0xF7A, s2;
	p2 =	seq.s32 @!p0 s5, $0x0  }
0x1f: {  	s9 =	smul.u32 $0xF7A, s1;
	s8 =	simm.s32 @!p0 $0x1BF5;
	p2 =	por !p2, p0  }
0x20: {  	[sflag:s8] =	ssyncset.s32 @!p0 $0xFFFFF086;
	s6 =	sadd.s32 @!p0 s3, s7;
	s7 =	simm.s32 @!p0 $0x108  }
0x21: {  	s3 =	sadd.s32 s3, s9;
	s6 =	sadd.s32 @!p0 $0x88, s6;
	s7 =	simm.s32 @p2 $0x1082  }
0x22: {  	[simem:s7], [sflag:s8] =	dma.local @!p0 [hbm:s6], $0xF7A  }
0x23: {  	s9 =	sor.u32 $0xD0000000, s2;
	s6 =	simm.s32 $0x108;
	_ =	swait.ge @!p0 [sflag:s8], $0x0  }
0x24: {  	s3 =	sadd.s32 $0x88, s3;
	s6 =	simm.s32 @!p1 $0x1082;
	[sflag:s4] =	ssyncset.s32 $0xFFFFF086  }
0x25: {  	[simem:s6], [sflag:s4] =	dma.local [hbm:s3], $0xF7A  }
0x26: {  	[smem:$0x3F9F] =	sst s1;
	(tag) =	ssettag s2;
	_ =	strace s9  }
0x27: {  	s1 =	sld [smem:$0x3FAF]  }
0x28: {  	s2 =	sld [smem:$0x3FB0]  }
0x29: {  	s4 =	sld [smem:$0x3FB2]  }
0x2a: {  	p0 =	seq.s32 s5, $0x0;
	s5 =	sld [smem:$0x3FB3]  }
0x2b: {  	s6 =	sld [smem:$0x3FB4]  }
0x2c: {  	s7 =	sld [smem:$0x3FB5]  }
0x2d: {  	s3 =	simm.s32 $0x108;
	s8 =	sld [smem:$0x3FB6]  }
0x2e: {  	s3 =	simm.s32 @!p0 $0x1082;
	s9 =	sld [smem:$0x3FB7]  }
0x2f: {  	lr =	sadd.s32 s0, s3;
	s0 =	sld [smem:$0x3FAE]  }
0x30: {  	s3 =	sld [smem:$0x3FB1]  }
0x31: {  	[smem:$0x3FBA] =	sst s10  }
0x32: {  	s10 =	sld [smem:$0x3FB8];
	_ =	sdelay $0x3  }
0x33: {  	p0 =	seq.s32 s10, $0x1;
	s10 =	sld [smem:$0x3FBA];
	_ =	sdelay $0x3  }
0x34: {  	[smem:$0x3FBA] =	sst s10  }
0x35: {  	s10 =	sld [smem:$0x3FB9];
	_ =	sdelay $0x3  }
0x36: {  	p1 =	seq.s32 s10, $0x1;
	s10 =	sld [smem:$0x3FBA];
	_ =	sdelay $0x3  }
0x37: {  	[smem:$0x3FBA] =	sst s10  }
0x38: {  	s10 =	sld [smem:$0x3FBB]  }
0x39: {  	_ = 	snop;
	(pc) =	sbr.ind lr, $3  }
0x3a: {  	_ = 	snop  }
0x3b: {  	_ = 	snop  }
0x3c: {  	p2 =	seq.s32 s10, $0x1;
	s10 =	sld [smem:$0x3FBA]  }
0x3d: {  	_ =	shalt  }
0x3e: {  	_ =	shalt  }
0x3f: {  	_ =	shalt  }
0x40: {  	_ =	shalt  }
0x41: {  	_ =	shalt  }
0x42: {  	_ =	shalt  }
0x43: {  	_ =	shalt  }
0x44: {  	_ =	shalt  }
0x45: {  	_ =	shalt  }
0x46: {  	_ =	shalt  }
0x47: {  	_ =	shalt  }
0x48: {  	_ =	shalt  }
0x49: {  	_ =	shalt  }
0x4a: {  	_ =	shalt  }
0x4b: {  	_ =	shalt  }
0x4c: {  	_ =	shalt  }
0x4d: {  	_ =	shalt  }
0x4e: {  	_ =	shalt  }
0x4f: {  	_ =	shalt  }
0x50: {  	_ =	shalt  }
0x51: {  	_ =	shalt  }
0x52: {  	_ =	shalt  }
0x53: {  	_ =	shalt  }
0x54: {  	_ =	shalt  }
0x55: {  	_ =	shalt  }
0x56: {  	_ =	shalt  }
0x57: {  	_ =	shalt  }
0x58: {  	_ =	shalt  }
0x59: {  	_ =	shalt  }
0x5a: {  	_ =	shalt  }
0x5b: {  	_ =	shalt  }
0x5c: {  	_ =	shalt  }
0x5d: {  	_ =	shalt  }
0x5e: {  	_ =	shalt  }
0x5f: {  	_ =	shalt  }
0x60: {  	_ =	shalt  }
0x61: {  	_ =	shalt  }
0x62: {  	_ =	shalt  }
0x63: {  	_ =	shalt  }
0x64: {  	_ =	shalt  }
0x65: {  	_ =	shalt  }
0x66: {  	_ =	shalt  }
0x67: {  	_ =	shalt  }
0x68: {  	_ =	shalt  }
0x69: {  	_ =	shalt  }
0x6a: {  	_ =	shalt  }
0x6b: {  	_ =	shalt  }
0x6c: {  	_ =	shalt  }
0x6d: {  	_ =	shalt  }
0x6e: {  	_ =	shalt  }
0x6f: {  	_ =	shalt  }
0x70: {  	_ =	shalt  }
0x71: {  	_ =	shalt  }
0x72: {  	_ =	shalt  }
0x73: {  	_ =	shalt  }
0x74: {  	_ =	shalt  }
0x75: {  	_ =	shalt  }
0x76: {  	_ =	shalt  }
0x77: {  	_ =	shalt  }
0x78: {  	_ =	shalt  }
0x79: {  	_ =	shalt  }
0x7a: {  	_ =	shalt  }
0x7b: {  	_ =	shalt  }
0x7c: {  	_ =	shalt  }
0x7d: {  	_ =	shalt  }
0x7e: {  	_ =	shalt  }
0x7f: {  	_ =	shalt  }
0x80: {  	_ =	shalt  }
0x81: {  	_ =	shalt  }
0x82: {  	_ =	shalt  }
0x83: {  	_ =	shalt  }
0x84: {  	_ =	shalt  }
0x85: {  	_ =	shalt  }
0x86: {  	_ =	shalt  }
0x87: {  	_ =	shalt  }
.Lfunc_end0:
.L_simem_size_0:
called_computation_lowered:
.L_overlay_start_0:
0x88: {  	s2 =	sld [smem:$0x3FD9]  }
0x89: {  	s3 =	sld [smem:$0x3FFE];
	_ =	sdelay $0x1  }
0x8a: {  	s1 =	srdreg.scid  }
0x8b: {  	s0 =	sand.u32 $0x1, s1  }
0x8c: {  	s14 =	sshll.u32 s0, $0xA;
	s2 =	sadd.s32 s3, s2  }
0x8d: {  	s2 =	sadd.s32 s2, s14  }
0x8e: {  	[smem:$0x3FC6] =	sst s2  }
0x8f: {  	_ = 	snop  }
0x90: {  	s2 =	sld [smem:$0x3FD0];
	_ =	sdelay $0x2  }
0x91: {  	s15 =	simm.s32 $0xA;
	s4 =	simm.s32 $0x10  }
0x92: {  	[smem:s4], [sflag:s15] =	dma.local [hbm:s2], $0x1  }
0x93: {  	_ =	swait.eq [sflag:s15], $0x1  }
0x94: {  	[sflag:s15] =	ssyncset.done $0x0  }
0x95: {  	[sflag:s15] =	ssyncadd.s32 $0xFFFFFFFF  }
0x96: {  	s16 =	sld [smem:$0x10];
	(tm) =	ssettm $0x1  }
0x97: {  	s17 =	sld [smem:$0x3FFB];
	_ =	sdelay $0x3  }
0x98: {  	_ =	strace s17  }
0x99: {  	s3 =	sld [smem:$0x3FFC];
	_ =	sdelay $0x3  }
0x9a: {  	_ =	strace s3  }
0x9b: {  	s3 =	sld [smem:$0x3FFD];
	_ =	sdelay $0x3  }
0x9c: {  	_ =	strace s3  }
0x9d: {  	_ =	strace $0x8FFFFFFF  }
0x9e: {  	s18 =	sld [smem:$0x3FDB];
	_ =	sdelay $0x1  }
0x9f: {  	s19 =	simm.s32 $_scs_section_size  }
0xa0: {  	s5 =	simm.s32 $_size__tile_overlayer_lowered;
	s6 =	simm.s32 $_tile_overlayer_lowered  }
0xa1: {  	s22 =	simm.s32 $0x1BFF;
	s21 =	sshll.u32 s6, $0x1;
	s3 =	sadd.s32 s19, s18  }
0xa2: {  	s7 =	simm.s32 $0x0;
	s20 =	sshll.u32 s5, $0x1;
	s5 =	sadd.s32 s21, s3  }
0xa3: {  	[timem:s7], [sflag:s22] =	dma.local [hbm:s5], s20  }
0xa4: {  	_ =	swait.ge [sflag:s22], s20  }
0xa5: {  	s4 =	ssub.s32 $0x0, s20;
	[sflag:s22] =	ssyncset.done $0x0  }
0xa6: {  	[sflag:s22] =	ssyncadd.s32 s4;
	_ =	sdelay $0x1  }
0xa7: {  	s23 =	simm.s32 $0x1B8B  }
0xa8: {  	_ =	swait.ge [sflag:s23], $0x1  }
0xa9: {  	[sflag:s23] =	ssyncset.done $0x0  }
0xaa: {  	s25 =	simm.s32 $0x1B8E;
	s24 =	sld [smem:$0x3FFE];
	[sflag:s23] =	ssyncadd.s32 $0xFFFFFFFF  }
0xab: {  	s26 =	simm.s32 $execute0_lowered;
	[smem:$0x3FD2] =	sst s25  }
0xac: {  	s5 =	sshll.u32 s26, $0x1;
	_ =	strace $0x80000046;
	[dreg:$0x1] =	wrdreg $0xFFFFFFFF  }
0xad: {  	s28 =	simm.s32 $_size_execute0_lowered;
	s3 =	sadd.s32 s3, s5;
	[dreg:$0x0] =	wrdreg $0x0  }
0xae: {  	s5 =	sshll.u32 s28, $0x1;
	[dreg:$0x2] =	wrdreg s3  }
0xaf: {  	[dreg:$0x3] =	wrdreg s5  }
0xb0: {  	[dreg:$0x4] =	wrdreg $0xC0  }
0xb1: {  	_ =	task [dreg:s7], $0x5FFFF  }
0xb2: {  	[dreg:$0x1] =	wrdreg $0xFFFFFFFF  }
0xb3: {  	[dreg:$0x0] =	wrdreg $0x60  }
0xb4: {  	[dreg:$0x2] =	wrdreg s24  }
0xb5: {  	[dreg:$0x3] =	wrdreg s16  }
0xb6: {  	[dreg:$0x4] =	wrdreg $0x69E00  }
0xb7: {  	[dreg:$0x5] =	wrdreg $0x9  }
0xb8: {  	_ =	task.clear_ibuf [dreg:s7], $0x6FFFF;
	_ =	strace $0x90000046  }
0xb9: {  	s29 =	simm.s32 $0x9;
	_ =	strace $0x80000048  }
0xba: {  	_ =	swait.ge [sflag:s29], $0x1  }
0xbb: {  	[sflag:s29] =	ssyncadd.s32 $0xFFFFFFFF  }
0xbc: {  	_ =	strace $0x90000048  }
0xbd: {  	_ =	sfence  }
0xbe: {  	s30 =	sld [smem:$0x0];
	_ =	sdelay $0x2  }
0xbf: {  	s31 =	sshll.u32 s1, $0xD;
	s1 =	sshrl.u32 s1, $0x2  }
0xc0: {  	s3 =	sand.u32 $0x4000, s31;
	s1 =	sadd.s32 s1, s30  }
0xc1: {  	s0 =	sor.u32 s3, s0;
	s1 =	sshll.u32 s1, $0x11  }
0xc2: {  	s0 =	sor.u32 s1, s0  }
0xc3: {  	s0 =	sadd.s32 $0x8F2B, s0  }
0xc4: {  	[sflag:s0] =	ssyncadd.remote.s32 $0x1  }
0xc5: {  	_ =	sfence.sel $0xFFFF  }
0xc6: {  	[dreg:$0x0] =	wrdreg $0xFFFFFFFF;
	(pc) =	sbr.abs _section_cstart, $3  }
0xc7: {  	[dreg:$0x1] =	wrdreg $0xFFFFFFFF  }
0xc8: {  	_ =	task.clear_ibuf [dreg:s7], $0x2FFFF;
	_ =	strace $0x9FFFFFFF  }
0xc9: {  	(tm) =	ssettm $0x7FFFFFFF  }
tec
execute0_lowered:
.L_overlay_start_1:
0x0: {  	(tag) =	ssettag $0x1  }
0x1: {  	s0 =	srdreg.scid;
	s12 =	stileid.u32  }
0x2: {  	s22 =	sand.u32 $0x1, s0;
	s30 =	sshll.u32 s12, $0x1  }
0x3: {  	s13 =	sor.u32 s22, s30  }
0x4: {  	s21 =	rddreg [dreg:$0x0];
	s3 =	smul.u32 $0x120, s13  }
0x5: {  	s14 =	rddreg [dreg:$0x1]  }
0x6: {  	s1 =	rddreg [dreg:$0x2];
	s2 =	simm.s32 $0x0;
	s3 =	sshrl.u32 s3, $0x3  }
0x7: {  	s4 =	simm.s32 $0x2;
	[smem:$0x7FF] =	sst s2;
	s20 =	sadd.s32 s3, s21  }
0x8: {  	s0 =	rddreg [dreg:$0x3];
	_ =	strace $0x80000047;
	s3 =	sadd.s32 $0x11200, s20  }
0x9: {  	[tilespmem:s2], [sflag:$0x2] =	stream.linear.gather [hbm4b:s3+s2], $0x120, $0x38;
	[tilespmem:$0x6BE0] =	vst v63  }
0xa: {  	_ =	swait.ge [sflag:s4], $0x120  }
0xb: {  	s6 =	simm.s32 $0x60;
	[sflag:s4] =	ssyncset.done $0x0  }
0xc: {  	s7 =	simm.s32 $0x120;
	s5 =	sadd.s32 $0x1200, s21;
	[sflag:s4] =	ssyncadd.s32 $0xFFFFFEE0  }
0xd: {  	[tilespmem:s7], [sflag:$0x1] =	stream.indirect.gather [hbm4b:s5+s6], $0x40, s2, s6, $0xb8;
	[tilespmem:$0x6BE0] =	vst v63  }
0xe: {  	s8 =	simm.s32 $0x1920  }
0xf: {  	[tilespmem:s8], [sflag:$0x1] =	stream.indirect.gather [hbm4b:s5+s6], $0x40, s6, s6, $0xb8;
	[tilespmem:$0x6BE0] =	vst v63  }
0x10: {  	s9 =	simm.s32 $0xC0;
	s10 =	simm.s32 $0x3120;
	s11 =	simm.s32 $0x1  }
0x11: {  	[tilespmem:s10], [sflag:$0x1] =	stream.indirect.gather [hbm4b:s5+s6], $0x40, s9, s6, $0xb8;
	[tilespmem:$0x6BE0] =	vst v63  }
0x12: {  	_ =	swait.ge [sflag:s11], $0x1800  }
0x13: {  	[sflag:s11] =	ssyncset.done $0x0  }
0x14: {  	[sflag:s11] =	ssyncadd.s32 $0xFFFFE800  }
0x15: {  	_ =	swait.ge [sflag:s11], $0x1800  }
0x16: {  	[sflag:s11] =	ssyncset.done $0x0  }
0x17: {  	[sflag:s11] =	ssyncadd.s32 $0xFFFFE800  }
0x18: {  	s13 =	smul.u32 $0x900, s13;
	_ =	swait.ge [sflag:s11], $0x1800  }
0x19: {  	[sflag:s11] =	ssyncset.done $0x0  }
0x1a: {  	s13 =	sadd.s32 s14, s13;
	[sflag:s11] =	ssyncadd.s32 $0xFFFFE800  }
0x1b: {  	[hbm4b:s13+s2] =	stream.linear.scatter [tilespmem:s7], [sflag:$0x2], $0x4800, $0x38;
	[tilespmem:$0x6BE0] =	vst v63  }
0x1c: {  	p0 =	sne.s32 s12, $0x0;
	_ =	swait.ge [sflag:s4], $0x4800  }
0x1d: {  	s16 =	sadd.s32 $0x11800, s21;
	s12 =	simm.s32 @!p0 $0x2;
	[sflag:s4] =	ssyncset.done $0x0  }
0x1e: {  	s15 =	simm.s32 @!p0 $0x49E0;
	s14 =	simm.s32 @!p0 $0x0;
	[sflag:s4] =	ssyncadd.s32 $0xFFFFB800  }
0x1f: {  	[tilespmem:s15], [sflag:$0x2] =	stream.linear.gather @!p0 [hbm4b:s16+s14], $0x2000, $0x38;
	[tilespmem:$0x6BE0] =	vst v63  }
0x20: {  	_ =	swait.ge @!p0 [sflag:s12], $0x2000  }
0x21: {  	[sflag:s12] =	ssyncset.done @!p0 $0x0  }
0x22: {  	[sflag:s12] =	ssyncadd.s32 @!p0 $0xFFFFE000  }
0x23: {  	[spmem:s1] =	stream.linear.scatter @!p0 [tilespmem:s15], [sflag:$0x2], $0x2000, $0x38;
	[tilespmem:$0x6BE0] =	vst v63  }
0x24: {  	_ =	swait.ge @!p0 [sflag:s12], $0x2000  }
0x25: {  	[sflag:s12] =	ssyncset.done @!p0 $0x0  }
0x26: {  	[sflag:s12] =	ssyncadd.s32 @!p0 $0xFFFFE000  }
0x27: {  	v0 =	vimm.f32 $1.000000000e+00;
	[bflag:$0x0] =	sbarrier.arrive $0xFFFF  }
0x28: {  	[tilespmem:$0x4970] =	vst v0  }
0x29: {  	[tilespmem:$0x4960] =	vst v0  }
0x2a: {  	[tilespmem:$0x4950] =	vst v0  }
0x2b: {  	[tilespmem:$0x4940] =	vst v0  }
0x2c: {  	[tilespmem:$0x4920] =	vst v0  }
0x2d: {  	s17 =	simm.s32 $0x4980;
	[tilespmem:$0x4930] =	vst v0  }
0x2e: {  	[tilespmem:s17], [sflag:$0x2] =	stream.linear.gather [hbm4b:s3+s2], $0x60, $0x38;
	[tilespmem:$0x6BE0] =	vst v63  }
0x2f: {  	_ =	swait.ge [sflag:s4], $0x60  }
0x30: {  	[sflag:s4] =	ssyncset.done $0x0  }
0x31: {  	s18 =	simm.s32 $0x4920;
	[sflag:s4] =	ssyncadd.s32 $0xFFFFFFA0  }
0x32: {  	[spmem:s1] =	stream.indirect.scatter.add.f32 [tilespmem:s18], [sflag:$0x2], $0x1, s17, s6, $0xb8;
	[tilespmem:$0x6BE0] =	vst v63  }
0x33: {  	_ =	swait.ge [sflag:s4], $0x60  }
0x34: {  	[sflag:s4] =	ssyncset.done $0x0  }
0x35: {  	s19 =	sadd.s32 $0x1120C, s20;
	[sflag:s4] =	ssyncadd.s32 $0xFFFFFFA0  }
0x36: {  	[tilespmem:s17], [sflag:$0x2] =	stream.linear.gather [hbm4b:s19+s2], $0x60, $0x38;
	[tilespmem:$0x6BE0] =	vst v63  }
0x37: {  	_ =	swait.ge [sflag:s4], $0x60  }
0x38: {  	[sflag:s4] =	ssyncset.done $0x0  }
0x39: {  	[sflag:s4] =	ssyncadd.s32 $0xFFFFFFA0  }
0x3a: {  	[spmem:s1] =	stream.indirect.scatter.add.f32 [tilespmem:s18], [sflag:$0x2], $0x1, s17, s6, $0xb8;
	[tilespmem:$0x6BE0] =	vst v63  }
0x3b: {  	_ =	swait.ge [sflag:s4], $0x60  }
0x3c: {  	s23 =	ssub.s32 $0x2, s22;
	[sflag:s4] =	ssyncset.done $0x0  }
0x3d: {  	s24 =	sshrl.u32 s23, $0x1;
	s20 =	sadd.s32 $0x11218, s20;
	[sflag:s4] =	ssyncadd.s32 $0xFFFFFFA0  }
0x3e: {  	[tilespmem:s17], [sflag:$0x2] =	stream.linear.gather [hbm4b:s20+s2], $0x60, $0x38;
	[tilespmem:$0x6BE0] =	vst v63  }
0x3f: {  	s23 =	ssub.s32 s23, s24;
	_ =	swait.ge [sflag:s4], $0x60  }
0x40: {  	s23 =	smax.u32 s23, $0x1;
	[sflag:s4] =	ssyncset.done $0x0  }
0x41: {  	s31 =	sshll.u32 s22, $0xA;
	s22 =	sadd.s32 $0xFFFFFFFF, s23;
	[sflag:s4] =	ssyncadd.s32 $0xFFFFFFA0  }
0x42: {  	[spmem:s1] =	stream.indirect.scatter.add.f32 [tilespmem:s18], [sflag:$0x2], $0x1, s17, s6, $0xb8;
	[tilespmem:$0x6BE0] =	vst v63  }
0x43: {  	p1 =	sne.s32 s22, $0x0;
	_ =	swait.ge [sflag:s4], $0x60  }
.Ltmp0:
0x44: {  	[sflag:s4] =	ssyncset.done $0x0;
	(pc) =	sbr.rel @!p1 .LBB2_2-.Ltmp0, $4  }
0x45: {  	[sflag:s4] =	ssyncadd.s32 $0xFFFFFFA0  }
0x46: {  	s21 =	sadd.s32 s31, s21;
	[bflag:$0x0] =	sbarrier.arrive $0xFFFF  }
0x47: {  	[tilespmem:s15], [sflag:$0x2] =	stream.linear.gather @!p0 [spmem:s1], $0x2000, $0x38;
	[tilespmem:$0x6BE0] =	vst v63  }
0x48: {  	s21 =	sadd.s32 $0x11C00, s21;
	_ =	swait.ge @!p0 [sflag:s12], $0x2000  }
.LBB2_1:
0x49: {  	s22 =	sadd.s32 $0xFFFFFFFF, s22;
	[sflag:s12] =	ssyncset.done @!p0 $0x0  }
0x4a: {  	p1 =	sne.s32 s22, $0x0;
	[sflag:s12] =	ssyncadd.s32 @!p0 $0xFFFFE000  }
0x4b: {  	[hbm4b:s21+s14] =	stream.linear.scatter @!p0 [tilespmem:s15], [sflag:$0x2], $0x2000, $0x38;
	[tilespmem:$0x6BE0] =	vst v63  }
0x4c: {  	_ =	swait.ge @!p0 [sflag:s12], $0x2000  }
0x4d: {  	[sflag:s12] =	ssyncset.done @!p0 $0x0  }
0x4e: {  	[sflag:s12] =	ssyncadd.s32 @!p0 $0xFFFFE000  }
0x4f: {  	[tilespmem:s2], [sflag:$0x2] =	stream.linear.gather [hbm4b:s3+s2], $0x120, $0x38;
	[tilespmem:$0x6BE0] =	vst v63  }
0x50: {  	_ =	swait.ge [sflag:s4], $0x120  }
0x51: {  	[sflag:s4] =	ssyncset.done $0x0  }
0x52: {  	[sflag:s4] =	ssyncadd.s32 $0xFFFFFEE0  }
0x53: {  	[tilespmem:s7], [sflag:$0x1] =	stream.indirect.gather [hbm4b:s5+s6], $0x40, s2, s6, $0xb8;
	[tilespmem:$0x6BE0] =	vst v63  }
0x54: {  	_ = 	snop  }
0x55: {  	[tilespmem:s8], [sflag:$0x1] =	stream.indirect.gather [hbm4b:s5+s6], $0x40, s6, s6, $0xb8;
	[tilespmem:$0x6BE0] =	vst v63  }
0x56: {  	_ = 	snop  }
0x57: {  	[tilespmem:s10], [sflag:$0x1] =	stream.indirect.gather [hbm4b:s5+s6], $0x40, s9, s6, $0xb8;
	[tilespmem:$0x6BE0] =	vst v63  }
0x58: {  	_ =	swait.ge [sflag:s11], $0x1800  }
0x59: {  	[sflag:s11] =	ssyncset.done $0x0  }
0x5a: {  	[sflag:s11] =	ssyncadd.s32 $0xFFFFE800  }
0x5b: {  	_ =	swait.ge [sflag:s11], $0x1800  }
0x5c: {  	[sflag:s11] =	ssyncset.done $0x0  }
0x5d: {  	[sflag:s11] =	ssyncadd.s32 $0xFFFFE800  }
0x5e: {  	_ =	swait.ge [sflag:s11], $0x1800  }
0x5f: {  	[sflag:s11] =	ssyncset.done $0x0  }
0x60: {  	[sflag:s11] =	ssyncadd.s32 $0xFFFFE800  }
0x61: {  	[hbm4b:s13+s2] =	stream.linear.scatter [tilespmem:s7], [sflag:$0x2], $0x4800, $0x38;
	[tilespmem:$0x6BE0] =	vst v63  }
0x62: {  	_ =	swait.ge [sflag:s4], $0x4800  }
0x63: {  	[sflag:s4] =	ssyncset.done $0x0  }
0x64: {  	[sflag:s4] =	ssyncadd.s32 $0xFFFFB800  }
0x65: {  	[tilespmem:s15], [sflag:$0x2] =	stream.linear.gather @!p0 [hbm4b:s16+s14], $0x2000, $0x38;
	[tilespmem:$0x6BE0] =	vst v63  }
0x66: {  	_ =	swait.ge @!p0 [sflag:s12], $0x2000  }
0x67: {  	[sflag:s12] =	ssyncset.done @!p0 $0x0  }
0x68: {  	[sflag:s12] =	ssyncadd.s32 @!p0 $0xFFFFE000  }
0x69: {  	[spmem:s1] =	stream.linear.scatter @!p0 [tilespmem:s15], [sflag:$0x2], $0x2000, $0x38;
	[tilespmem:$0x6BE0] =	vst v63  }
0x6a: {  	_ =	swait.ge @!p0 [sflag:s12], $0x2000  }
0x6b: {  	[sflag:s12] =	ssyncset.done @!p0 $0x0  }
0x6c: {  	[sflag:s12] =	ssyncadd.s32 @!p0 $0xFFFFE000  }
0x6d: {  	[bflag:$0x0] =	sbarrier.arrive $0xFFFF  }
0x6e: {  	[tilespmem:$0x4970] =	vst v0  }
0x6f: {  	[tilespmem:$0x4960] =	vst v0  }
0x70: {  	[tilespmem:$0x4950] =	vst v0  }
0x71: {  	[tilespmem:$0x4940] =	vst v0  }
0x72: {  	[tilespmem:$0x4920] =	vst v0  }
0x73: {  	[tilespmem:$0x4930] =	vst v0  }
0x74: {  	[tilespmem:s17], [sflag:$0x2] =	stream.linear.gather [hbm4b:s3+s2], $0x60, $0x38;
	[tilespmem:$0x6BE0] =	vst v63  }
0x75: {  	_ =	swait.ge [sflag:s4], $0x60  }
0x76: {  	[sflag:s4] =	ssyncset.done $0x0  }
0x77: {  	[sflag:s4] =	ssyncadd.s32 $0xFFFFFFA0  }
0x78: {  	[spmem:s1] =	stream.indirect.scatter.add.f32 [tilespmem:s18], [sflag:$0x2], $0x1, s17, s6, $0xb8;
	[tilespmem:$0x6BE0] =	vst v63  }
0x79: {  	_ =	swait.ge [sflag:s4], $0x60  }
0x7a: {  	[sflag:s4] =	ssyncset.done $0x0  }
0x7b: {  	[sflag:s4] =	ssyncadd.s32 $0xFFFFFFA0  }
0x7c: {  	[tilespmem:s17], [sflag:$0x2] =	stream.linear.gather [hbm4b:s19+s2], $0x60, $0x38;
	[tilespmem:$0x6BE0] =	vst v63  }
0x7d: {  	_ =	swait.ge [sflag:s4], $0x60  }
0x7e: {  	[sflag:s4] =	ssyncset.done $0x0  }
0x7f: {  	[sflag:s4] =	ssyncadd.s32 $0xFFFFFFA0  }
0x80: {  	[spmem:s1] =	stream.indirect.scatter.add.f32 [tilespmem:s18], [sflag:$0x2], $0x1, s17, s6, $0xb8;
	[tilespmem:$0x6BE0] =	vst v63  }
0x81: {  	_ =	swait.ge [sflag:s4], $0x60  }
0x82: {  	[sflag:s4] =	ssyncset.done $0x0  }
0x83: {  	[sflag:s4] =	ssyncadd.s32 $0xFFFFFFA0  }
0x84: {  	[tilespmem:s17], [sflag:$0x2] =	stream.linear.gather [hbm4b:s20+s2], $0x60, $0x38;
	[tilespmem:$0x6BE0] =	vst v63  }
0x85: {  	_ =	swait.ge [sflag:s4], $0x60  }
0x86: {  	[sflag:s4] =	ssyncset.done $0x0  }
0x87: {  	[sflag:s4] =	ssyncadd.s32 $0xFFFFFFA0  }
0x88: {  	[spmem:s1] =	stream.indirect.scatter.add.f32 [tilespmem:s18], [sflag:$0x2], $0x1, s17, s6, $0xb8;
	[tilespmem:$0x6BE0] =	vst v63  }
0x89: {  	_ =	swait.ge [sflag:s4], $0x60  }
.Ltmp1:
0x8a: {  	[sflag:s4] =	ssyncset.done $0x0;
	(pc) =	sbr.rel @p1 .LBB2_1-.Ltmp1, $4  }
0x8b: {  	[sflag:s4] =	ssyncadd.s32 $0xFFFFFFA0  }
0x8c: {  	[bflag:$0x0] =	sbarrier.arrive $0xFFFF  }
0x8d: {  	[tilespmem:s15], [sflag:$0x2] =	stream.linear.gather @!p0 [spmem:s1], $0x2000, $0x38;
	[tilespmem:$0x6BE0] =	vst v63  }
0x8e: {  	_ =	swait.ge @!p0 [sflag:s12], $0x2000  }
.LBB2_2:
0x8f: {  	[sflag:s12] =	ssyncset.done @!p0 $0x0  }
0x90: {  	[sflag:s12] =	ssyncadd.s32 @!p0 $0xFFFFE000  }
0x91: {  	[hbm4b:s21+s14] =	stream.linear.scatter @!p0 [tilespmem:s15], [sflag:$0x2], $0x2000, $0x38;
	[tilespmem:$0x6BE0] =	vst v63  }
0x92: {  	_ =	swait.ge @!p0 [sflag:s12], $0x2000  }
0x93: {  	[sflag:s12] =	ssyncset.done @!p0 $0x0  }
0x94: {  	[sflag:s12] =	ssyncadd.s32 @!p0 $0xFFFFE000  }
0x95: {  	_ =	sfence.sel $0x180000  }
0x96: {  	[bflag:$0x0] =	sbarrier.arrive $0xFFFF  }
0x97: {  	_ =	strace $0x90000047  }
0x98: {  	s0 =	sadd.s32 @!p0 $0x100000, s0;
	[bflag:$0x2] =	sbarrier.arrive $0xFFFF  }
0x99: {  	[sflag:s0] =	ssyncadd.tile.s32 @!p0 $0x1;
	_ =	shalt  }
.Lfunc_end2:
_tile_overlayer_lowered:
.L_overlay_start_2:
0x9a: {  	(tag) =	ssettag $0x2  }
0x9b: {  	s0 =	rddreg [dreg:$0x0];
	s2 =	stileid.u32  }
0x9c: {  	s1 =	rddreg [dreg:$0x1];
	p0 =	sne.s32 s2, $0x0  }
0x9d: {  	s3 =	rddreg [dreg:$0x2];
	[bflag:$0x3] =	sbarrier.arrive $0xFFFF;
	s2 =	simm.s32 @!p0 $0x1C02  }
0x9e: {  	[timem:s3], [sflag:s2] =	dma.local @!p0 [hbm:s0], s1  }
0x9f: {  	s0 =	simm.s32 @!p0 $0x2  }
0xa0: {  	_ =	swait.ge @!p0 [sflag:s0], s1  }
0xa1: {  	s1 =	ssub.s32 @!p0 $0x0, s1;
	[sflag:s0] =	ssyncset.done @!p0 $0x0  }
0xa2: {  	[sflag:s0] =	ssyncadd.s32 @!p0 s1  }
0xa3: {  	[bflag:$0x3] =	sbarrier.arrive $0xFFFF  }
0xa4: {  	_ =	shalt  }

</sc_bundles>
